<compile_context>
chip_gen: v7x
topology: tpu7x:2x2x1
jax: 0.10.2.dev20260603
libtpu: 0.0.44.dev20260713+nightly
codegen_flags: <defaults>
</compile_context>

<pallas_src>
import functools
import jax
import jax.numpy as jnp
from jax import lax
from jax.experimental import pallas as pl
from jax.experimental.pallas import tpu as pltpu
from jax.experimental.pallas import tpu_sc as plsc

_NE = 8192
_D = 256
_CB = 256
_BIG = 2**30
_NC = 2
_NS = 16
_NW = _NC * _NS


def _argmin_kernel(x_ref, e_ref, t_ref, idx_ref, loss_ref):
    b = pl.program_id(0)
    nb = pl.num_programs(0)
    xb = x_ref[0]
    xb2 = (xb * 2.0).astype(jnp.bfloat16)
    t = t_ref[0, 0]

    spans = []
    bounds = (0, 2816, 5632, 8192)
    for wi in range(3):
        s = bounds[wi]
        while s < bounds[wi + 1]:
            size = min(512, bounds[wi + 1] - s)
            s += size
            spans.append((s - size, size, s == bounds[wi + 1] and wi < 2))

    runval = jnp.full((1024,), jnp.inf, jnp.float32)
    runtrue = jnp.full((1024,), jnp.inf, jnp.float32)
    runidx = jnp.zeros((1024,), jnp.int32)
    for start, size, boundary in spans:
        e = e_ref[pl.ds(start, size), :]
        mm = lax.dot_general(e, xb2, (((1,), (0,)), ((), ())),
                             preferred_element_type=jnp.float32)
        v = jnp.sum(e * e, axis=1)
        d = (t[None, :] - mm) + v[:, None]
        cmin = jnp.min(d, axis=0)
        iota = lax.broadcasted_iota(jnp.int32, (size, 1024), 0) + start
        cidx = jnp.min(jnp.where(d == cmin[None, :], iota, _BIG), axis=0)
        take = (cmin < runval) | ((cmin == runval) & (cidx < runidx))
        runidx = jnp.where(take, cidx, runidx)
        runtrue = jnp.where(take, cmin, runtrue)
        runval = jnp.where(take, cmin, runval)
        if boundary:
            runval = runval.astype(jnp.bfloat16).astype(jnp.float32)
    idx_ref[0, 0, :] = runidx

    part = jnp.sum(runtrue)
    prev = jnp.where(b == 0, 0.0, loss_ref[0, 0])
    acc = prev + part
    scale = 1.25 / (8 * 1024 * _D)
    loss_ref[0, 0] = jnp.where(b == nb - 1, acc * scale, acc)


def _gather_body(e_hbm, idx_hbm, out_hbm, idx_v, rows_v, sem):
    wid = lax.axis_index("s") * _NC + lax.axis_index("c")
    per_w = 8192 // _NW
    base = wid * per_w
    pltpu.sync_copy(idx_hbm.at[pl.ds(base, per_w)], idx_v)
    pltpu.async_copy(e_hbm.at[idx_v], rows_v, sem).wait()
    pltpu.sync_copy(rows_v, out_hbm.at[pl.ds(base, per_w)])


def _st_kernel(x_ref, q_ref, o_ref):
    xb = x_ref[0]
    qt = q_ref[:].T
    o_ref[0] = xb + (qt - xb)


def kernel(inputs, embedding_weight):
    B, C, H, W = inputs.shape
    HW = H * W
    x3 = inputs.reshape(B, C, HW)
    t = jnp.sum(inputs ** 2, axis=1).reshape(B, 1, HW)

    idx, loss = pl.pallas_call(
        _argmin_kernel,
        grid=(B,),
        in_specs=[pl.BlockSpec((1, C, HW), lambda b: (b, 0, 0)),
                  pl.BlockSpec((_NE, _D), lambda b: (0, 0)),
                  pl.BlockSpec((1, 1, HW), lambda b: (b, 0, 0))],
        out_specs=[pl.BlockSpec((1, 1, HW), lambda b: (b, 0, 0)),
                   pl.BlockSpec((1, 1), lambda b: (0, 0),
                                memory_space=pltpu.SMEM)],
        out_shape=[jax.ShapeDtypeStruct((B, 1, HW), jnp.int32),
                   jax.ShapeDtypeStruct((1, 1), jnp.float32)],
    )(x3, embedding_weight, t)

    idx_flat = idx.reshape(B * HW)

    mesh = plsc.VectorSubcoreMesh(core_axis_name="c", subcore_axis_name="s")
    per_w = (B * HW) // _NW
    gather = pl.kernel(
        _gather_body,
        mesh=mesh,
        out_type=jax.ShapeDtypeStruct((B * HW, _D), jnp.float32),
        scratch_types=[
            pltpu.VMEM((per_w,), jnp.int32),
            pltpu.VMEM((per_w, _D), jnp.float32),
            pltpu.SemaphoreType.DMA,
        ],
    )
    q_flat = gather(embedding_weight, idx_flat)

    out3 = pl.pallas_call(
        _st_kernel,
        grid=(B,),
        in_specs=[pl.BlockSpec((1, C, HW), lambda b: (b, 0, 0)),
                  pl.BlockSpec((HW, _D), lambda b: (b, 0))],
        out_specs=pl.BlockSpec((1, C, HW), lambda b: (b, 0, 0)),
        out_shape=jax.ShapeDtypeStruct((B, C, HW), jnp.float32),
    )(x3, q_flat)

    return out3.reshape(B, C, H, W), loss[0, 0]

# --- scband reference (transcript-rebuilt; emitter-appended) ---
"""Pipeline reference for scband-vector-quantizer-30288109371954 (READ-ONLY COPY).

The authoritative reference and input builder live on the scoring server;
editing this copy changes nothing except your own understanding.
"""

import jax, jax.numpy as jnp
import numpy as np

NUM_EMBEDDINGS = 8192
EMBED_DIM = 256
COMMITMENT_COST = 0.25

def setup_inputs(seed: int = 0) -> dict:
    key = jax.random.key(seed)
    k1, k2 = jax.random.split(key)
    inputs = jax.random.normal(k1, (8, EMBED_DIM, 32, 32), dtype=jnp.float32)
    embedding_weight = jax.random.uniform(
        k2, (NUM_EMBEDDINGS, EMBED_DIM),
        minval=-1.0 / NUM_EMBEDDINGS, maxval=1.0 / NUM_EMBEDDINGS,
        dtype=jnp.float32)
    return {"inputs": inputs, "embedding_weight": embedding_weight}

def reference(inputs, embedding_weight):
    B, C, H, W = inputs.shape
    flat_input = jnp.transpose(inputs, (0, 2, 3, 1)).reshape(-1, C)
    distances = (jnp.sum(flat_input ** 2, axis=1, keepdims=True)
                 - 2.0 * flat_input @ embedding_weight.T
                 + jnp.sum(embedding_weight ** 2, axis=1, keepdims=True).T)
    encoding_indices = jnp.argmin(distances, axis=1)
    encodings = jax.nn.one_hot(encoding_indices, NUM_EMBEDDINGS, dtype=flat_input.dtype)
    quantized = encodings @ embedding_weight
    quantized = jnp.transpose(quantized.reshape(B, H, W, C), (0, 3, 1, 2))
    e_latent_loss = jnp.mean((jax.lax.stop_gradient(quantized) - inputs) ** 2)
    q_latent_loss = jnp.mean((quantized - jax.lax.stop_gradient(inputs)) ** 2)
    loss = q_latent_loss + COMMITMENT_COST * e_latent_loss
    quantized_st = inputs + jax.lax.stop_gradient(quantized - inputs)
    return (quantized_st, loss)

if __name__ == "__main__":
    import jax
    _d = setup_inputs()
    print(jax.jit(kernel)(*tuple(_d.values())))

</pallas_src>

<mosaic_0001>
#map = affine_map<(d0, d1) -> (0, 0)>
#map1 = affine_map<(d0, d1) -> (0)>
module attributes {stable_mosaic.version = 14 : i64} {
  func.func @_gather_body(%arg0: i32, %arg1: i32, %arg2: memref<8192x256xf32, #tpu.memory_space<hbm>>, %arg3: memref<8192xi32, #tpu.memory_space<hbm>>, %arg4: memref<8192x256xf32, #tpu.memory_space<hbm>>, %arg5: memref<256xi32, #tpu.memory_space<vmem>>, %arg6: memref<256x256xf32, #tpu.memory_space<vmem>>, %arg7: memref<!tpu.dma_semaphore, #tpu.memory_space<semaphore_mem>>) attributes {dimension_semantics = [#tpu.dimension_semantics<core_parallel>, #tpu.dimension_semantics<subcore_parallel>], iteration_bounds = array<i64: 2, 16>, scalar_prefetch = 0 : i64, scratch_operands = 3 : i64, tpu.core_type = #tpu.core_type<sc_vector_subcore>, window_params = [{transform_indices = #map}, {transform_indices = #map1}, {transform_indices = #map}]} {
    %mul3A = arith.constant 2 : i32
    %mul3A_0 = arith.muli %arg1, %mul3A : i32
    %add3A = arith.addi %mul3A_0, %arg0 : i32
    %mul3A_1 = arith.constant 256 : i32
    %mul3A_2 = arith.muli %add3A, %mul3A_1 : i32
    "tpu.region"() ({
      %run_scoped3A = tpu.sem_alloc : memref<!tpu.dma_semaphore, #tpu.memory_space<semaphore_mem>>
      %dma_start3A_7 = tpu.memref_slice %arg3[%mul3A_2] : memref<8192xi32, #tpu.memory_space<hbm>> -> memref<256xi32, #tpu.memory_space<hbm>>
      %dma_start3A_8 = tpu.memref_slice %arg3[%mul3A_2] : memref<8192xi32, #tpu.memory_space<hbm>> -> memref<256xi32, #tpu.memory_space<hbm>>
      tpu.enqueue_dma source(%dma_start3A_8 : memref<256xi32, #tpu.memory_space<hbm>>) target(%arg5 : memref<256xi32, #tpu.memory_space<vmem>>) target_semaphore(%run_scoped3A : memref<!tpu.dma_semaphore, #tpu.memory_space<semaphore_mem>>)
      %dma_wait3A_9 = tpu.memref_slice %arg3[%mul3A_2] : memref<8192xi32, #tpu.memory_space<hbm>> -> memref<256xi32, #tpu.memory_space<hbm>>
      %dma_wait3A_10 = tpu.memref_slice %arg3[%mul3A_2] : memref<8192xi32, #tpu.memory_space<hbm>> -> memref<256xi32, #tpu.memory_space<hbm>>
      tpu.wait_dma2 semaphore(%run_scoped3A : memref<!tpu.dma_semaphore, #tpu.memory_space<semaphore_mem>>) src(%dma_wait3A_10 : memref<256xi32, #tpu.memory_space<hbm>>) dst(%arg5 : memref<256xi32, #tpu.memory_space<vmem>>)
      tpu.yield
    }) : () -> ()
    %dma_start3A = arith.constant 0 : i32
    %dma_start3A_3 = arith.constant 0 : i32
    %dma_start3A_4 = tpu.memref_slice %arg2[%dma_start3A, %dma_start3A_3] : memref<8192x256xf32, #tpu.memory_space<hbm>> -> memref<8192x256xf32, #tpu.memory_space<hbm>>
    tpu.enqueue_indirect_dma source(%dma_start3A_4 : memref<8192x256xf32, #tpu.memory_space<hbm>>) target(%arg6 : memref<256x256xf32, #tpu.memory_space<vmem>>) offsets(%arg5 : memref<256xi32, #tpu.memory_space<vmem>>) semaphore(%arg7 : memref<!tpu.dma_semaphore, #tpu.memory_space<semaphore_mem>>)
    %dma_wait3A = arith.constant 0 : i32
    %dma_wait3A_5 = arith.constant 0 : i32
    %dma_wait3A_6 = tpu.memref_slice %arg2[%dma_wait3A, %dma_wait3A_5] : memref<8192x256xf32, #tpu.memory_space<hbm>> -> memref<8192x256xf32, #tpu.memory_space<hbm>>
    tpu.wait_indirect_dma semaphore(%arg7 : memref<!tpu.dma_semaphore, #tpu.memory_space<semaphore_mem>>) src(%dma_wait3A_6 : memref<8192x256xf32, #tpu.memory_space<hbm>>) dst(%arg6 : memref<256x256xf32, #tpu.memory_space<vmem>>)
    "tpu.region"() ({
      %run_scoped3A = tpu.sem_alloc : memref<!tpu.dma_semaphore, #tpu.memory_space<semaphore_mem>>
      %dma_start3A_7 = arith.constant 0 : i32
      %dma_start3A_8 = tpu.memref_slice %arg4[%mul3A_2, %dma_start3A_7] : memref<8192x256xf32, #tpu.memory_space<hbm>> -> memref<256x256xf32, #tpu.memory_space<hbm>>
      %dma_start3A_9 = arith.constant 0 : i32
      %dma_start3A_10 = tpu.memref_slice %arg4[%mul3A_2, %dma_start3A_9] : memref<8192x256xf32, #tpu.memory_space<hbm>> -> memref<256x256xf32, #tpu.memory_space<hbm>>
      tpu.enqueue_dma source(%arg6 : memref<256x256xf32, #tpu.memory_space<vmem>>) target(%dma_start3A_10 : memref<256x256xf32, #tpu.memory_space<hbm>>) target_semaphore(%run_scoped3A : memref<!tpu.dma_semaphore, #tpu.memory_space<semaphore_mem>>)
      %dma_wait3A_11 = arith.constant 0 : i32
      %dma_wait3A_12 = tpu.memref_slice %arg4[%mul3A_2, %dma_wait3A_11] : memref<8192x256xf32, #tpu.memory_space<hbm>> -> memref<256x256xf32, #tpu.memory_space<hbm>>
      %dma_wait3A_13 = arith.constant 0 : i32
      %dma_wait3A_14 = tpu.memref_slice %arg4[%mul3A_2, %dma_wait3A_13] : memref<8192x256xf32, #tpu.memory_space<hbm>> -> memref<256x256xf32, #tpu.memory_space<hbm>>
      tpu.wait_dma2 semaphore(%run_scoped3A : memref<!tpu.dma_semaphore, #tpu.memory_space<semaphore_mem>>) src(%arg6 : memref<256x256xf32, #tpu.memory_space<vmem>>) dst(%dma_wait3A_14 : memref<256x256xf32, #tpu.memory_space<hbm>>)
      tpu.yield
    }) : () -> ()
    return
  }
}

module attributes {stable_mosaic.version = 14 : i64} {
  func.func @_argmin_kernel(%arg0: i32, %arg1: memref<1x256x1024xf32, #tpu.memory_space<vmem>>, %arg2: memref<8192x256xf32, #tpu.memory_space<vmem>>, %arg3: memref<1x1x1024xf32, #tpu.memory_space<vmem>>, %arg4: memref<1x1x1024xi32, #tpu.memory_space<vmem>>, %arg5: memref<1x1xf32, #tpu.memory_space<smem>>) attributes {dimension_semantics = [#tpu.dimension_semantics<arbitrary>], iteration_bounds = array<i64: 8>, scalar_prefetch = 0 : i64, scratch_operands = 0 : i64, tpu.core_type = #tpu.core_type<tc>, window_params = [{transform_indices = @transform_0, window_bounds = array<i64: 1, 256, 1024>}, {pipeline_mode = #tpu.pipeline_mode<synchronous>, transform_indices = @transform_1, window_bounds = array<i64: 8192, 256>}, {transform_indices = @transform_2, window_bounds = array<i64: 1, 1, 1024>}, {transform_indices = @transform_3, window_bounds = array<i64: 1, 1, 1024>}, {transform_indices = @transform_4, window_bounds = array<i64: 1, 1>}]} {
    %get3A = arith.constant 0 : index
    %get3A_0 = arith.constant 0 : index
    %get3A_1 = arith.constant 0 : index
    %get3A_2 = vector.load %arg1[%get3A, %get3A_0, %get3A_1] : memref<1x256x1024xf32, #tpu.memory_space<vmem>>, vector<1x256x1024xf32>
    %get3A_3 = vector.shape_cast %get3A_2 : vector<1x256x1024xf32> to vector<256x1024xf32>
    %mul3A = arith.constant 2.000000e+00 : f32
    %mul3A_4 = vector.broadcast %mul3A : f32 to vector<256x1024xf32>
    %mul3A_5 = arith.mulf %get3A_3, %mul3A_4 : vector<256x1024xf32>
    %convert_element_type3A = arith.truncf %mul3A_5 : vector<256x1024xf32> to vector<256x1024xbf16>
    %get3A_6 = arith.constant 0 : index
    %get3A_7 = arith.constant 0 : index
    %get3A_8 = arith.constant 0 : index
    %get3A_9 = vector.load %arg3[%get3A_6, %get3A_7, %get3A_8] : memref<1x1x1024xf32, #tpu.memory_space<vmem>>, vector<1x1x1024xf32>
    %get3A_10 = vector.shape_cast %get3A_9 : vector<1x1x1024xf32> to vector<1024xf32>
    %broadcast_in_dim3A = arith.constant 0x7F800000 : f32
    %broadcast_in_dim3A_11 = vector.broadcast %broadcast_in_dim3A : f32 to vector<1024xf32>
    %broadcast_in_dim3A_12 = arith.constant 0x7F800000 : f32
    %broadcast_in_dim3A_13 = vector.broadcast %broadcast_in_dim3A_12 : f32 to vector<1024xf32>
    %broadcast_in_dim3A_14 = arith.constant 0 : i32
    %broadcast_in_dim3A_15 = vector.broadcast %broadcast_in_dim3A_14 : i32 to vector<1024xi32>
    %get3A_16 = arith.constant 0 : index
    %get3A_17 = arith.constant 0 : index
    %get3A_18 = vector.load %arg2[%get3A_16, %get3A_17] : memref<8192x256xf32, #tpu.memory_space<vmem>>, vector<512x256xf32>
    %dot_general3A = arith.constant dense<0.000000e+00> : vector<512x1024xf32>
    %dot_general3A_19 = tpu.matmul %get3A_18, %convert_element_type3A, %dot_general3A {dimension_numbers = #tpu.dot_dimension_numbers<[1], [0], [0], [1], [0, 0, 1, 1], [], []>, transpose_lhs_hint = false} : vector<512x256xf32>, vector<256x1024xbf16>, vector<512x1024xf32> -> vector<512x1024xf32>
    %mul3A_20 = arith.mulf %get3A_18, %get3A_18 : vector<512x256xf32>
    %reduce_sum3A = arith.constant dense<0.000000e+00> : vector<512xf32>
    %reduce_sum3A_21 = vector.multi_reduction <add>, %mul3A_20, %reduce_sum3A [1] : vector<512x256xf32> to vector<512xf32>
    %broadcast_in_dim3A_22 = vector.shape_cast %get3A_10 : vector<1024xf32> to vector<1x1024xf32>
    %sub3A = vector.broadcast %broadcast_in_dim3A_22 : vector<1x1024xf32> to vector<512x1024xf32>
    %sub3A_23 = arith.subf %sub3A, %dot_general3A_19 : vector<512x1024xf32>
    %broadcast_in_dim3A_24 = vector.shape_cast %reduce_sum3A_21 : vector<512xf32> to vector<512x1xf32>
    %add3A = vector.broadcast %broadcast_in_dim3A_24 : vector<512x1xf32> to vector<512x1024xf32>
    %add3A_25 = arith.addf %sub3A_23, %add3A : vector<512x1024xf32>
    %reduce_min3A = arith.constant dense<0x7F800000> : vector<1024xf32>
    %reduce_min3A_26 = vector.multi_reduction <minimumf>, %add3A_25, %reduce_min3A [0] : vector<512x1024xf32> to vector<1024xf32>
    %iota3A = tpu.iota {dimensions = array<i32: 0>} : vector<512x1024xi32>
    %add3A_27 = arith.constant 0 : i32
    %add3A_28 = vector.broadcast %add3A_27 : i32 to vector<512x1024xi32>
    %add3A_29 = arith.addi %iota3A, %add3A_28 : vector<512x1024xi32>
    %broadcast_in_dim3A_30 = vector.shape_cast %reduce_min3A_26 : vector<1024xf32> to vector<1x1024xf32>
    %eq3A = vector.broadcast %broadcast_in_dim3A_30 : vector<1x1024xf32> to vector<512x1024xf32>
    %eq3A_31 = arith.cmpf oeq, %add3A_25, %eq3A : vector<512x1024xf32>
    %jit3A = arith.constant 1073741824 : i32
    %broadcast_in_dim3A_32 = vector.broadcast %jit3A : i32 to vector<512x1024xi32>
    %select_n3A = arith.select %eq3A_31, %add3A_29, %broadcast_in_dim3A_32 : vector<512x1024xi1>, vector<512x1024xi32>
    %reduce_min3A_33 = arith.constant dense<2147483647> : vector<1024xi32>
    %reduce_min3A_34 = vector.multi_reduction <minsi>, %select_n3A, %reduce_min3A_33 [0] : vector<512x1024xi32> to vector<1024xi32>
    %lt3A = arith.cmpf olt, %reduce_min3A_26, %broadcast_in_dim3A_11 : vector<1024xf32>
    %eq3A_35 = arith.cmpf oeq, %reduce_min3A_26, %broadcast_in_dim3A_11 : vector<1024xf32>
    %lt3A_36 = arith.cmpi slt, %reduce_min3A_34, %broadcast_in_dim3A_15 : vector<1024xi32>
    %and3A = arith.andi %eq3A_35, %lt3A_36 : vector<1024xi1>
    %or3A = arith.ori %lt3A, %and3A : vector<1024xi1>
    %select_n3A_37 = arith.select %or3A, %reduce_min3A_34, %broadcast_in_dim3A_15 : vector<1024xi1>, vector<1024xi32>
    %select_n3A_38 = arith.select %or3A, %reduce_min3A_26, %broadcast_in_dim3A_13 : vector<1024xi1>, vector<1024xf32>
    %select_n3A_39 = arith.select %or3A, %reduce_min3A_26, %broadcast_in_dim3A_11 : vector<1024xi1>, vector<1024xf32>
    %get3A_40 = arith.constant 512 : index
    %get3A_41 = arith.constant 0 : index
    %get3A_42 = vector.load %arg2[%get3A_40, %get3A_41] : memref<8192x256xf32, #tpu.memory_space<vmem>>, vector<512x256xf32>
    %dot_general3A_43 = arith.constant dense<0.000000e+00> : vector<512x1024xf32>
    %dot_general3A_44 = tpu.matmul %get3A_42, %convert_element_type3A, %dot_general3A_43 {dimension_numbers = #tpu.dot_dimension_numbers<[1], [0], [0], [1], [0, 0, 1, 1], [], []>, transpose_lhs_hint = false} : vector<512x256xf32>, vector<256x1024xbf16>, vector<512x1024xf32> -> vector<512x1024xf32>
    %mul3A_45 = arith.mulf %get3A_42, %get3A_42 : vector<512x256xf32>
    %reduce_sum3A_46 = arith.constant dense<0.000000e+00> : vector<512xf32>
    %reduce_sum3A_47 = vector.multi_reduction <add>, %mul3A_45, %reduce_sum3A_46 [1] : vector<512x256xf32> to vector<512xf32>
    %broadcast_in_dim3A_48 = vector.shape_cast %get3A_10 : vector<1024xf32> to vector<1x1024xf32>
    %sub3A_49 = vector.broadcast %broadcast_in_dim3A_48 : vector<1x1024xf32> to vector<512x1024xf32>
    %sub3A_50 = arith.subf %sub3A_49, %dot_general3A_44 : vector<512x1024xf32>
    %broadcast_in_dim3A_51 = vector.shape_cast %reduce_sum3A_47 : vector<512xf32> to vector<512x1xf32>
    %add3A_52 = vector.broadcast %broadcast_in_dim3A_51 : vector<512x1xf32> to vector<512x1024xf32>
    %add3A_53 = arith.addf %sub3A_50, %add3A_52 : vector<512x1024xf32>
    %reduce_min3A_54 = arith.constant dense<0x7F800000> : vector<1024xf32>
    %reduce_min3A_55 = vector.multi_reduction <minimumf>, %add3A_53, %reduce_min3A_54 [0] : vector<512x1024xf32> to vector<1024xf32>
    %iota3A_56 = tpu.iota {dimensions = array<i32: 0>} : vector<512x1024xi32>
    %add3A_57 = arith.constant 512 : i32
    %add3A_58 = vector.broadcast %add3A_57 : i32 to vector<512x1024xi32>
    %add3A_59 = arith.addi %iota3A_56, %add3A_58 : vector<512x1024xi32>
    %broadcast_in_dim3A_60 = vector.shape_cast %reduce_min3A_55 : vector<1024xf32> to vector<1x1024xf32>
    %eq3A_61 = vector.broadcast %broadcast_in_dim3A_60 : vector<1x1024xf32> to vector<512x1024xf32>
    %eq3A_62 = arith.cmpf oeq, %add3A_53, %eq3A_61 : vector<512x1024xf32>
    %jit3A_63 = arith.constant 1073741824 : i32
    %broadcast_in_dim3A_64 = vector.broadcast %jit3A_63 : i32 to vector<512x1024xi32>
    %select_n3A_65 = arith.select %eq3A_62, %add3A_59, %broadcast_in_dim3A_64 : vector<512x1024xi1>, vector<512x1024xi32>
    %reduce_min3A_66 = arith.constant dense<2147483647> : vector<1024xi32>
    %reduce_min3A_67 = vector.multi_reduction <minsi>, %select_n3A_65, %reduce_min3A_66 [0] : vector<512x1024xi32> to vector<1024xi32>
    %lt3A_68 = arith.cmpf olt, %reduce_min3A_55, %select_n3A_39 : vector<1024xf32>
    %eq3A_69 = arith.cmpf oeq, %reduce_min3A_55, %select_n3A_39 : vector<1024xf32>
    %lt3A_70 = arith.cmpi slt, %reduce_min3A_67, %select_n3A_37 : vector<1024xi32>
    %and3A_71 = arith.andi %eq3A_69, %lt3A_70 : vector<1024xi1>
    %or3A_72 = arith.ori %lt3A_68, %and3A_71 : vector<1024xi1>
    %select_n3A_73 = arith.select %or3A_72, %reduce_min3A_67, %select_n3A_37 : vector<1024xi1>, vector<1024xi32>
    %select_n3A_74 = arith.select %or3A_72, %reduce_min3A_55, %select_n3A_38 : vector<1024xi1>, vector<1024xf32>
    %select_n3A_75 = arith.select %or3A_72, %reduce_min3A_55, %select_n3A_39 : vector<1024xi1>, vector<1024xf32>
    %get3A_76 = arith.constant 1024 : index
    %get3A_77 = arith.constant 0 : index
    %get3A_78 = vector.load %arg2[%get3A_76, %get3A_77] : memref<8192x256xf32, #tpu.memory_space<vmem>>, vector<512x256xf32>
    %dot_general3A_79 = arith.constant dense<0.000000e+00> : vector<512x1024xf32>
    %dot_general3A_80 = tpu.matmul %get3A_78, %convert_element_type3A, %dot_general3A_79 {dimension_numbers = #tpu.dot_dimension_numbers<[1], [0], [0], [1], [0, 0, 1, 1], [], []>, transpose_lhs_hint = false} : vector<512x256xf32>, vector<256x1024xbf16>, vector<512x1024xf32> -> vector<512x1024xf32>
    %mul3A_81 = arith.mulf %get3A_78, %get3A_78 : vector<512x256xf32>
    %reduce_sum3A_82 = arith.constant dense<0.000000e+00> : vector<512xf32>
    %reduce_sum3A_83 = vector.multi_reduction <add>, %mul3A_81, %reduce_sum3A_82 [1] : vector<512x256xf32> to vector<512xf32>
    %broadcast_in_dim3A_84 = vector.shape_cast %get3A_10 : vector<1024xf32> to vector<1x1024xf32>
    %sub3A_85 = vector.broadcast %broadcast_in_dim3A_84 : vector<1x1024xf32> to vector<512x1024xf32>
    %sub3A_86 = arith.subf %sub3A_85, %dot_general3A_80 : vector<512x1024xf32>
    %broadcast_in_dim3A_87 = vector.shape_cast %reduce_sum3A_83 : vector<512xf32> to vector<512x1xf32>
    %add3A_88 = vector.broadcast %broadcast_in_dim3A_87 : vector<512x1xf32> to vector<512x1024xf32>
    %add3A_89 = arith.addf %sub3A_86, %add3A_88 : vector<512x1024xf32>
    %reduce_min3A_90 = arith.constant dense<0x7F800000> : vector<1024xf32>
    %reduce_min3A_91 = vector.multi_reduction <minimumf>, %add3A_89, %reduce_min3A_90 [0] : vector<512x1024xf32> to vector<1024xf32>
    %iota3A_92 = tpu.iota {dimensions = array<i32: 0>} : vector<512x1024xi32>
    %add3A_93 = arith.constant 1024 : i32
    %add3A_94 = vector.broadcast %add3A_93 : i32 to vector<512x1024xi32>
    %add3A_95 = arith.addi %iota3A_92, %add3A_94 : vector<512x1024xi32>
    %broadcast_in_dim3A_96 = vector.shape_cast %reduce_min3A_91 : vector<1024xf32> to vector<1x1024xf32>
    %eq3A_97 = vector.broadcast %broadcast_in_dim3A_96 : vector<1x1024xf32> to vector<512x1024xf32>
    %eq3A_98 = arith.cmpf oeq, %add3A_89, %eq3A_97 : vector<512x1024xf32>
    %jit3A_99 = arith.constant 1073741824 : i32
    %broadcast_in_dim3A_100 = vector.broadcast %jit3A_99 : i32 to vector<512x1024xi32>
    %select_n3A_101 = arith.select %eq3A_98, %add3A_95, %broadcast_in_dim3A_100 : vector<512x1024xi1>, vector<512x1024xi32>
    %reduce_min3A_102 = arith.constant dense<2147483647> : vector<1024xi32>
    %reduce_min3A_103 = vector.multi_reduction <minsi>, %select_n3A_101, %reduce_min3A_102 [0] : vector<512x1024xi32> to vector<1024xi32>
    %lt3A_104 = arith.cmpf olt, %reduce_min3A_91, %select_n3A_75 : vector<1024xf32>
    %eq3A_105 = arith.cmpf oeq, %reduce_min3A_91, %select_n3A_75 : vector<1024xf32>
    %lt3A_106 = arith.cmpi slt, %reduce_min3A_103, %select_n3A_73 : vector<1024xi32>
    %and3A_107 = arith.andi %eq3A_105, %lt3A_106 : vector<1024xi1>
    %or3A_108 = arith.ori %lt3A_104, %and3A_107 : vector<1024xi1>
    %select_n3A_109 = arith.select %or3A_108, %reduce_min3A_103, %select_n3A_73 : vector<1024xi1>, vector<1024xi32>
    %select_n3A_110 = arith.select %or3A_108, %reduce_min3A_91, %select_n3A_74 : vector<1024xi1>, vector<1024xf32>
    %select_n3A_111 = arith.select %or3A_108, %reduce_min3A_91, %select_n3A_75 : vector<1024xi1>, vector<1024xf32>
    %get3A_112 = arith.constant 1536 : index
    %get3A_113 = arith.constant 0 : index
    %get3A_114 = vector.load %arg2[%get3A_112, %get3A_113] : memref<8192x256xf32, #tpu.memory_space<vmem>>, vector<512x256xf32>
    %dot_general3A_115 = arith.constant dense<0.000000e+00> : vector<512x1024xf32>
    %dot_general3A_116 = tpu.matmul %get3A_114, %convert_element_type3A, %dot_general3A_115 {dimension_numbers = #tpu.dot_dimension_numbers<[1], [0], [0], [1], [0, 0, 1, 1], [], []>, transpose_lhs_hint = false} : vector<512x256xf32>, vector<256x1024xbf16>, vector<512x1024xf32> -> vector<512x1024xf32>
    %mul3A_117 = arith.mulf %get3A_114, %get3A_114 : vector<512x256xf32>
    %reduce_sum3A_118 = arith.constant dense<0.000000e+00> : vector<512xf32>
    %reduce_sum3A_119 = vector.multi_reduction <add>, %mul3A_117, %reduce_sum3A_118 [1] : vector<512x256xf32> to vector<512xf32>
    %broadcast_in_dim3A_120 = vector.shape_cast %get3A_10 : vector<1024xf32> to vector<1x1024xf32>
    %sub3A_121 = vector.broadcast %broadcast_in_dim3A_120 : vector<1x1024xf32> to vector<512x1024xf32>
    %sub3A_122 = arith.subf %sub3A_121, %dot_general3A_116 : vector<512x1024xf32>
    %broadcast_in_dim3A_123 = vector.shape_cast %reduce_sum3A_119 : vector<512xf32> to vector<512x1xf32>
    %add3A_124 = vector.broadcast %broadcast_in_dim3A_123 : vector<512x1xf32> to vector<512x1024xf32>
    %add3A_125 = arith.addf %sub3A_122, %add3A_124 : vector<512x1024xf32>
    %reduce_min3A_126 = arith.constant dense<0x7F800000> : vector<1024xf32>
    %reduce_min3A_127 = vector.multi_reduction <minimumf>, %add3A_125, %reduce_min3A_126 [0] : vector<512x1024xf32> to vector<1024xf32>
    %iota3A_128 = tpu.iota {dimensions = array<i32: 0>} : vector<512x1024xi32>
    %add3A_129 = arith.constant 1536 : i32
    %add3A_130 = vector.broadcast %add3A_129 : i32 to vector<512x1024xi32>
    %add3A_131 = arith.addi %iota3A_128, %add3A_130 : vector<512x1024xi32>
    %broadcast_in_dim3A_132 = vector.shape_cast %reduce_min3A_127 : vector<1024xf32> to vector<1x1024xf32>
    %eq3A_133 = vector.broadcast %broadcast_in_dim3A_132 : vector<1x1024xf32> to vector<512x1024xf32>
    %eq3A_134 = arith.cmpf oeq, %add3A_125, %eq3A_133 : vector<512x1024xf32>
    %jit3A_135 = arith.constant 1073741824 : i32
    %broadcast_in_dim3A_136 = vector.broadcast %jit3A_135 : i32 to vector<512x1024xi32>
    %select_n3A_137 = arith.select %eq3A_134, %add3A_131, %broadcast_in_dim3A_136 : vector<512x1024xi1>, vector<512x1024xi32>
    %reduce_min3A_138 = arith.constant dense<2147483647> : vector<1024xi32>
    %reduce_min3A_139 = vector.multi_reduction <minsi>, %select_n3A_137, %reduce_min3A_138 [0] : vector<512x1024xi32> to vector<1024xi32>
    %lt3A_140 = arith.cmpf olt, %reduce_min3A_127, %select_n3A_111 : vector<1024xf32>
    %eq3A_141 = arith.cmpf oeq, %reduce_min3A_127, %select_n3A_111 : vector<1024xf32>
    %lt3A_142 = arith.cmpi slt, %reduce_min3A_139, %select_n3A_109 : vector<1024xi32>
    %and3A_143 = arith.andi %eq3A_141, %lt3A_142 : vector<1024xi1>
    %or3A_144 = arith.ori %lt3A_140, %and3A_143 : vector<1024xi1>
    %select_n3A_145 = arith.select %or3A_144, %reduce_min3A_139, %select_n3A_109 : vector<1024xi1>, vector<1024xi32>
    %select_n3A_146 = arith.select %or3A_144, %reduce_min3A_127, %select_n3A_110 : vector<1024xi1>, vector<1024xf32>
    %select_n3A_147 = arith.select %or3A_144, %reduce_min3A_127, %select_n3A_111 : vector<1024xi1>, vector<1024xf32>
    %get3A_148 = arith.constant 2048 : index
    %get3A_149 = arith.constant 0 : index
    %get3A_150 = vector.load %arg2[%get3A_148, %get3A_149] : memref<8192x256xf32, #tpu.memory_space<vmem>>, vector<512x256xf32>
    %dot_general3A_151 = arith.constant dense<0.000000e+00> : vector<512x1024xf32>
    %dot_general3A_152 = tpu.matmul %get3A_150, %convert_element_type3A, %dot_general3A_151 {dimension_numbers = #tpu.dot_dimension_numbers<[1], [0], [0], [1], [0, 0, 1, 1], [], []>, transpose_lhs_hint = false} : vector<512x256xf32>, vector<256x1024xbf16>, vector<512x1024xf32> -> vector<512x1024xf32>
    %mul3A_153 = arith.mulf %get3A_150, %get3A_150 : vector<512x256xf32>
    %reduce_sum3A_154 = arith.constant dense<0.000000e+00> : vector<512xf32>
    %reduce_sum3A_155 = vector.multi_reduction <add>, %mul3A_153, %reduce_sum3A_154 [1] : vector<512x256xf32> to vector<512xf32>
    %broadcast_in_dim3A_156 = vector.shape_cast %get3A_10 : vector<1024xf32> to vector<1x1024xf32>
    %sub3A_157 = vector.broadcast %broadcast_in_dim3A_156 : vector<1x1024xf32> to vector<512x1024xf32>
    %sub3A_158 = arith.subf %sub3A_157, %dot_general3A_152 : vector<512x1024xf32>
    %broadcast_in_dim3A_159 = vector.shape_cast %reduce_sum3A_155 : vector<512xf32> to vector<512x1xf32>
    %add3A_160 = vector.broadcast %broadcast_in_dim3A_159 : vector<512x1xf32> to vector<512x1024xf32>
    %add3A_161 = arith.addf %sub3A_158, %add3A_160 : vector<512x1024xf32>
    %reduce_min3A_162 = arith.constant dense<0x7F800000> : vector<1024xf32>
    %reduce_min3A_163 = vector.multi_reduction <minimumf>, %add3A_161, %reduce_min3A_162 [0] : vector<512x1024xf32> to vector<1024xf32>
    %iota3A_164 = tpu.iota {dimensions = array<i32: 0>} : vector<512x1024xi32>
    %add3A_165 = arith.constant 2048 : i32
    %add3A_166 = vector.broadcast %add3A_165 : i32 to vector<512x1024xi32>
    %add3A_167 = arith.addi %iota3A_164, %add3A_166 : vector<512x1024xi32>
    %broadcast_in_dim3A_168 = vector.shape_cast %reduce_min3A_163 : vector<1024xf32> to vector<1x1024xf32>
    %eq3A_169 = vector.broadcast %broadcast_in_dim3A_168 : vector<1x1024xf32> to vector<512x1024xf32>
    %eq3A_170 = arith.cmpf oeq, %add3A_161, %eq3A_169 : vector<512x1024xf32>
    %jit3A_171 = arith.constant 1073741824 : i32
    %broadcast_in_dim3A_172 = vector.broadcast %jit3A_171 : i32 to vector<512x1024xi32>
    %select_n3A_173 = arith.select %eq3A_170, %add3A_167, %broadcast_in_dim3A_172 : vector<512x1024xi1>, vector<512x1024xi32>
    %reduce_min3A_174 = arith.constant dense<2147483647> : vector<1024xi32>
    %reduce_min3A_175 = vector.multi_reduction <minsi>, %select_n3A_173, %reduce_min3A_174 [0] : vector<512x1024xi32> to vector<1024xi32>
    %lt3A_176 = arith.cmpf olt, %reduce_min3A_163, %select_n3A_147 : vector<1024xf32>
    %eq3A_177 = arith.cmpf oeq, %reduce_min3A_163, %select_n3A_147 : vector<1024xf32>
    %lt3A_178 = arith.cmpi slt, %reduce_min3A_175, %select_n3A_145 : vector<1024xi32>
    %and3A_179 = arith.andi %eq3A_177, %lt3A_178 : vector<1024xi1>
    %or3A_180 = arith.ori %lt3A_176, %and3A_179 : vector<1024xi1>
    %select_n3A_181 = arith.select %or3A_180, %reduce_min3A_175, %select_n3A_145 : vector<1024xi1>, vector<1024xi32>
    %select_n3A_182 = arith.select %or3A_180, %reduce_min3A_163, %select_n3A_146 : vector<1024xi1>, vector<1024xf32>
    %select_n3A_183 = arith.select %or3A_180, %reduce_min3A_163, %select_n3A_147 : vector<1024xi1>, vector<1024xf32>
    %get3A_184 = arith.constant 2560 : index
    %get3A_185 = arith.constant 0 : index
    %get3A_186 = vector.load %arg2[%get3A_184, %get3A_185] : memref<8192x256xf32, #tpu.memory_space<vmem>>, vector<256x256xf32>
    %dot_general3A_187 = arith.constant dense<0.000000e+00> : vector<256x1024xf32>
    %dot_general3A_188 = tpu.matmul %get3A_186, %convert_element_type3A, %dot_general3A_187 {dimension_numbers = #tpu.dot_dimension_numbers<[1], [0], [0], [1], [0, 0, 1, 1], [], []>, transpose_lhs_hint = false} : vector<256x256xf32>, vector<256x1024xbf16>, vector<256x1024xf32> -> vector<256x1024xf32>
    %mul3A_189 = arith.mulf %get3A_186, %get3A_186 : vector<256x256xf32>
    %reduce_sum3A_190 = arith.constant dense<0.000000e+00> : vector<256xf32>
    %reduce_sum3A_191 = vector.multi_reduction <add>, %mul3A_189, %reduce_sum3A_190 [1] : vector<256x256xf32> to vector<256xf32>
    %broadcast_in_dim3A_192 = vector.shape_cast %get3A_10 : vector<1024xf32> to vector<1x1024xf32>
    %sub3A_193 = vector.broadcast %broadcast_in_dim3A_192 : vector<1x1024xf32> to vector<256x1024xf32>
    %sub3A_194 = arith.subf %sub3A_193, %dot_general3A_188 : vector<256x1024xf32>
    %broadcast_in_dim3A_195 = vector.shape_cast %reduce_sum3A_191 : vector<256xf32> to vector<256x1xf32>
    %add3A_196 = vector.broadcast %broadcast_in_dim3A_195 : vector<256x1xf32> to vector<256x1024xf32>
    %add3A_197 = arith.addf %sub3A_194, %add3A_196 : vector<256x1024xf32>
    %reduce_min3A_198 = arith.constant dense<0x7F800000> : vector<1024xf32>
    %reduce_min3A_199 = vector.multi_reduction <minimumf>, %add3A_197, %reduce_min3A_198 [0] : vector<256x1024xf32> to vector<1024xf32>
    %iota3A_200 = tpu.iota {dimensions = array<i32: 0>} : vector<256x1024xi32>
    %add3A_201 = arith.constant 2560 : i32
    %add3A_202 = vector.broadcast %add3A_201 : i32 to vector<256x1024xi32>
    %add3A_203 = arith.addi %iota3A_200, %add3A_202 : vector<256x1024xi32>
    %broadcast_in_dim3A_204 = vector.shape_cast %reduce_min3A_199 : vector<1024xf32> to vector<1x1024xf32>
    %eq3A_205 = vector.broadcast %broadcast_in_dim3A_204 : vector<1x1024xf32> to vector<256x1024xf32>
    %eq3A_206 = arith.cmpf oeq, %add3A_197, %eq3A_205 : vector<256x1024xf32>
    %jit3A_207 = arith.constant 1073741824 : i32
    %broadcast_in_dim3A_208 = vector.broadcast %jit3A_207 : i32 to vector<256x1024xi32>
    %select_n3A_209 = arith.select %eq3A_206, %add3A_203, %broadcast_in_dim3A_208 : vector<256x1024xi1>, vector<256x1024xi32>
    %reduce_min3A_210 = arith.constant dense<2147483647> : vector<1024xi32>
    %reduce_min3A_211 = vector.multi_reduction <minsi>, %select_n3A_209, %reduce_min3A_210 [0] : vector<256x1024xi32> to vector<1024xi32>
    %lt3A_212 = arith.cmpf olt, %reduce_min3A_199, %select_n3A_183 : vector<1024xf32>
    %eq3A_213 = arith.cmpf oeq, %reduce_min3A_199, %select_n3A_183 : vector<1024xf32>
    %lt3A_214 = arith.cmpi slt, %reduce_min3A_211, %select_n3A_181 : vector<1024xi32>
    %and3A_215 = arith.andi %eq3A_213, %lt3A_214 : vector<1024xi1>
    %or3A_216 = arith.ori %lt3A_212, %and3A_215 : vector<1024xi1>
    %select_n3A_217 = arith.select %or3A_216, %reduce_min3A_211, %select_n3A_181 : vector<1024xi1>, vector<1024xi32>
    %select_n3A_218 = arith.select %or3A_216, %reduce_min3A_199, %select_n3A_182 : vector<1024xi1>, vector<1024xf32>
    %select_n3A_219 = arith.select %or3A_216, %reduce_min3A_199, %select_n3A_183 : vector<1024xi1>, vector<1024xf32>
    %convert_element_type3A_220 = arith.truncf %select_n3A_219 : vector<1024xf32> to vector<1024xbf16>
    %convert_element_type3A_221 = arith.extf %convert_element_type3A_220 : vector<1024xbf16> to vector<1024xf32>
    %get3A_222 = arith.constant 2816 : index
    %get3A_223 = arith.constant 0 : index
    %get3A_224 = vector.load %arg2[%get3A_222, %get3A_223] : memref<8192x256xf32, #tpu.memory_space<vmem>>, vector<512x256xf32>
    %dot_general3A_225 = arith.constant dense<0.000000e+00> : vector<512x1024xf32>
    %dot_general3A_226 = tpu.matmul %get3A_224, %convert_element_type3A, %dot_general3A_225 {dimension_numbers = #tpu.dot_dimension_numbers<[1], [0], [0], [1], [0, 0, 1, 1], [], []>, transpose_lhs_hint = false} : vector<512x256xf32>, vector<256x1024xbf16>, vector<512x1024xf32> -> vector<512x1024xf32>
    %mul3A_227 = arith.mulf %get3A_224, %get3A_224 : vector<512x256xf32>
    %reduce_sum3A_228 = arith.constant dense<0.000000e+00> : vector<512xf32>
    %reduce_sum3A_229 = vector.multi_reduction <add>, %mul3A_227, %reduce_sum3A_228 [1] : vector<512x256xf32> to vector<512xf32>
    %broadcast_in_dim3A_230 = vector.shape_cast %get3A_10 : vector<1024xf32> to vector<1x1024xf32>
    %sub3A_231 = vector.broadcast %broadcast_in_dim3A_230 : vector<1x1024xf32> to vector<512x1024xf32>
    %sub3A_232 = arith.subf %sub3A_231, %dot_general3A_226 : vector<512x1024xf32>
    %broadcast_in_dim3A_233 = vector.shape_cast %reduce_sum3A_229 : vector<512xf32> to vector<512x1xf32>
    %add3A_234 = vector.broadcast %broadcast_in_dim3A_233 : vector<512x1xf32> to vector<512x1024xf32>
    %add3A_235 = arith.addf %sub3A_232, %add3A_234 : vector<512x1024xf32>
    %reduce_min3A_236 = arith.constant dense<0x7F800000> : vector<1024xf32>
    %reduce_min3A_237 = vector.multi_reduction <minimumf>, %add3A_235, %reduce_min3A_236 [0] : vector<512x1024xf32> to vector<1024xf32>
    %iota3A_238 = tpu.iota {dimensions = array<i32: 0>} : vector<512x1024xi32>
    %add3A_239 = arith.constant 2816 : i32
    %add3A_240 = vector.broadcast %add3A_239 : i32 to vector<512x1024xi32>
    %add3A_241 = arith.addi %iota3A_238, %add3A_240 : vector<512x1024xi32>
    %broadcast_in_dim3A_242 = vector.shape_cast %reduce_min3A_237 : vector<1024xf32> to vector<1x1024xf32>
    %eq3A_243 = vector.broadcast %broadcast_in_dim3A_242 : vector<1x1024xf32> to vector<512x1024xf32>
    %eq3A_244 = arith.cmpf oeq, %add3A_235, %eq3A_243 : vector<512x1024xf32>
    %jit3A_245 = arith.constant 1073741824 : i32
    %broadcast_in_dim3A_246 = vector.broadcast %jit3A_245 : i32 to vector<512x1024xi32>
    %select_n3A_247 = arith.select %eq3A_244, %add3A_241, %broadcast_in_dim3A_246 : vector<512x1024xi1>, vector<512x1024xi32>
    %reduce_min3A_248 = arith.constant dense<2147483647> : vector<1024xi32>
    %reduce_min3A_249 = vector.multi_reduction <minsi>, %select_n3A_247, %reduce_min3A_248 [0] : vector<512x1024xi32> to vector<1024xi32>
    %lt3A_250 = arith.cmpf olt, %reduce_min3A_237, %convert_element_type3A_221 : vector<1024xf32>
    %eq3A_251 = arith.cmpf oeq, %reduce_min3A_237, %convert_element_type3A_221 : vector<1024xf32>
    %lt3A_252 = arith.cmpi slt, %reduce_min3A_249, %select_n3A_217 : vector<1024xi32>
    %and3A_253 = arith.andi %eq3A_251, %lt3A_252 : vector<1024xi1>
    %or3A_254 = arith.ori %lt3A_250, %and3A_253 : vector<1024xi1>
    %select_n3A_255 = arith.select %or3A_254, %reduce_min3A_249, %select_n3A_217 : vector<1024xi1>, vector<1024xi32>
    %select_n3A_256 = arith.select %or3A_254, %reduce_min3A_237, %select_n3A_218 : vector<1024xi1>, vector<1024xf32>
    %select_n3A_257 = arith.select %or3A_254, %reduce_min3A_237, %convert_element_type3A_221 : vector<1024xi1>, vector<1024xf32>
    %get3A_258 = arith.constant 3328 : index
    %get3A_259 = arith.constant 0 : index
    %get3A_260 = vector.load %arg2[%get3A_258, %get3A_259] : memref<8192x256xf32, #tpu.memory_space<vmem>>, vector<512x256xf32>
    %dot_general3A_261 = arith.constant dense<0.000000e+00> : vector<512x1024xf32>
    %dot_general3A_262 = tpu.matmul %get3A_260, %convert_element_type3A, %dot_general3A_261 {dimension_numbers = #tpu.dot_dimension_numbers<[1], [0], [0], [1], [0, 0, 1, 1], [], []>, transpose_lhs_hint = false} : vector<512x256xf32>, vector<256x1024xbf16>, vector<512x1024xf32> -> vector<512x1024xf32>
    %mul3A_263 = arith.mulf %get3A_260, %get3A_260 : vector<512x256xf32>
    %reduce_sum3A_264 = arith.constant dense<0.000000e+00> : vector<512xf32>
    %reduce_sum3A_265 = vector.multi_reduction <add>, %mul3A_263, %reduce_sum3A_264 [1] : vector<512x256xf32> to vector<512xf32>
    %broadcast_in_dim3A_266 = vector.shape_cast %get3A_10 : vector<1024xf32> to vector<1x1024xf32>
    %sub3A_267 = vector.broadcast %broadcast_in_dim3A_266 : vector<1x1024xf32> to vector<512x1024xf32>
    %sub3A_268 = arith.subf %sub3A_267, %dot_general3A_262 : vector<512x1024xf32>
    %broadcast_in_dim3A_269 = vector.shape_cast %reduce_sum3A_265 : vector<512xf32> to vector<512x1xf32>
    %add3A_270 = vector.broadcast %broadcast_in_dim3A_269 : vector<512x1xf32> to vector<512x1024xf32>
    %add3A_271 = arith.addf %sub3A_268, %add3A_270 : vector<512x1024xf32>
    %reduce_min3A_272 = arith.constant dense<0x7F800000> : vector<1024xf32>
    %reduce_min3A_273 = vector.multi_reduction <minimumf>, %add3A_271, %reduce_min3A_272 [0] : vector<512x1024xf32> to vector<1024xf32>
    %iota3A_274 = tpu.iota {dimensions = array<i32: 0>} : vector<512x1024xi32>
    %add3A_275 = arith.constant 3328 : i32
    %add3A_276 = vector.broadcast %add3A_275 : i32 to vector<512x1024xi32>
    %add3A_277 = arith.addi %iota3A_274, %add3A_276 : vector<512x1024xi32>
    %broadcast_in_dim3A_278 = vector.shape_cast %reduce_min3A_273 : vector<1024xf32> to vector<1x1024xf32>
    %eq3A_279 = vector.broadcast %broadcast_in_dim3A_278 : vector<1x1024xf32> to vector<512x1024xf32>
    %eq3A_280 = arith.cmpf oeq, %add3A_271, %eq3A_279 : vector<512x1024xf32>
    %jit3A_281 = arith.constant 1073741824 : i32
    %broadcast_in_dim3A_282 = vector.broadcast %jit3A_281 : i32 to vector<512x1024xi32>
    %select_n3A_283 = arith.select %eq3A_280, %add3A_277, %broadcast_in_dim3A_282 : vector<512x1024xi1>, vector<512x1024xi32>
    %reduce_min3A_284 = arith.constant dense<2147483647> : vector<1024xi32>
    %reduce_min3A_285 = vector.multi_reduction <minsi>, %select_n3A_283, %reduce_min3A_284 [0] : vector<512x1024xi32> to vector<1024xi32>
    %lt3A_286 = arith.cmpf olt, %reduce_min3A_273, %select_n3A_257 : vector<1024xf32>
    %eq3A_287 = arith.cmpf oeq, %reduce_min3A_273, %select_n3A_257 : vector<1024xf32>
    %lt3A_288 = arith.cmpi slt, %reduce_min3A_285, %select_n3A_255 : vector<1024xi32>
    %and3A_289 = arith.andi %eq3A_287, %lt3A_288 : vector<1024xi1>
    %or3A_290 = arith.ori %lt3A_286, %and3A_289 : vector<1024xi1>
    %select_n3A_291 = arith.select %or3A_290, %reduce_min3A_285, %select_n3A_255 : vector<1024xi1>, vector<1024xi32>
    %select_n3A_292 = arith.select %or3A_290, %reduce_min3A_273, %select_n3A_256 : vector<1024xi1>, vector<1024xf32>
    %select_n3A_293 = arith.select %or3A_290, %reduce_min3A_273, %select_n3A_257 : vector<1024xi1>, vector<1024xf32>
    %get3A_294 = arith.constant 3840 : index
    %get3A_295 = arith.constant 0 : index
    %get3A_296 = vector.load %arg2[%get3A_294, %get3A_295] : memref<8192x256xf32, #tpu.memory_space<vmem>>, vector<512x256xf32>
    %dot_general3A_297 = arith.constant dense<0.000000e+00> : vector<512x1024xf32>
    %dot_general3A_298 = tpu.matmul %get3A_296, %convert_element_type3A, %dot_general3A_297 {dimension_numbers = #tpu.dot_dimension_numbers<[1], [0], [0], [1], [0, 0, 1, 1], [], []>, transpose_lhs_hint = false} : vector<512x256xf32>, vector<256x1024xbf16>, vector<512x1024xf32> -> vector<512x1024xf32>
    %mul3A_299 = arith.mulf %get3A_296, %get3A_296 : vector<512x256xf32>
    %reduce_sum3A_300 = arith.constant dense<0.000000e+00> : vector<512xf32>
    %reduce_sum3A_301 = vector.multi_reduction <add>, %mul3A_299, %reduce_sum3A_300 [1] : vector<512x256xf32> to vector<512xf32>
    %broadcast_in_dim3A_302 = vector.shape_cast %get3A_10 : vector<1024xf32> to vector<1x1024xf32>
    %sub3A_303 = vector.broadcast %broadcast_in_dim3A_302 : vector<1x1024xf32> to vector<512x1024xf32>
    %sub3A_304 = arith.subf %sub3A_303, %dot_general3A_298 : vector<512x1024xf32>
    %broadcast_in_dim3A_305 = vector.shape_cast %reduce_sum3A_301 : vector<512xf32> to vector<512x1xf32>
    %add3A_306 = vector.broadcast %broadcast_in_dim3A_305 : vector<512x1xf32> to vector<512x1024xf32>
    %add3A_307 = arith.addf %sub3A_304, %add3A_306 : vector<512x1024xf32>
    %reduce_min3A_308 = arith.constant dense<0x7F800000> : vector<1024xf32>
    %reduce_min3A_309 = vector.multi_reduction <minimumf>, %add3A_307, %reduce_min3A_308 [0] : vector<512x1024xf32> to vector<1024xf32>
    %iota3A_310 = tpu.iota {dimensions = array<i32: 0>} : vector<512x1024xi32>
    %add3A_311 = arith.constant 3840 : i32
    %add3A_312 = vector.broadcast %add3A_311 : i32 to vector<512x1024xi32>
    %add3A_313 = arith.addi %iota3A_310, %add3A_312 : vector<512x1024xi32>
    %broadcast_in_dim3A_314 = vector.shape_cast %reduce_min3A_309 : vector<1024xf32> to vector<1x1024xf32>
    %eq3A_315 = vector.broadcast %broadcast_in_dim3A_314 : vector<1x1024xf32> to vector<512x1024xf32>
    %eq3A_316 = arith.cmpf oeq, %add3A_307, %eq3A_315 : vector<512x1024xf32>
    %jit3A_317 = arith.constant 1073741824 : i32
    %broadcast_in_dim3A_318 = vector.broadcast %jit3A_317 : i32 to vector<512x1024xi32>
    %select_n3A_319 = arith.select %eq3A_316, %add3A_313, %broadcast_in_dim3A_318 : vector<512x1024xi1>, vector<512x1024xi32>
    %reduce_min3A_320 = arith.constant dense<2147483647> : vector<1024xi32>
    %reduce_min3A_321 = vector.multi_reduction <minsi>, %select_n3A_319, %reduce_min3A_320 [0] : vector<512x1024xi32> to vector<1024xi32>
    %lt3A_322 = arith.cmpf olt, %reduce_min3A_309, %select_n3A_293 : vector<1024xf32>
    %eq3A_323 = arith.cmpf oeq, %reduce_min3A_309, %select_n3A_293 : vector<1024xf32>
    %lt3A_324 = arith.cmpi slt, %reduce_min3A_321, %select_n3A_291 : vector<1024xi32>
    %and3A_325 = arith.andi %eq3A_323, %lt3A_324 : vector<1024xi1>
    %or3A_326 = arith.ori %lt3A_322, %and3A_325 : vector<1024xi1>
    %select_n3A_327 = arith.select %or3A_326, %reduce_min3A_321, %select_n3A_291 : vector<1024xi1>, vector<1024xi32>
    %select_n3A_328 = arith.select %or3A_326, %reduce_min3A_309, %select_n3A_292 : vector<1024xi1>, vector<1024xf32>
    %select_n3A_329 = arith.select %or3A_326, %reduce_min3A_309, %select_n3A_293 : vector<1024xi1>, vector<1024xf32>
    %get3A_330 = arith.constant 4352 : index
    %get3A_331 = arith.constant 0 : index
    %get3A_332 = vector.load %arg2[%get3A_330, %get3A_331] : memref<8192x256xf32, #tpu.memory_space<vmem>>, vector<512x256xf32>
    %dot_general3A_333 = arith.constant dense<0.000000e+00> : vector<512x1024xf32>
    %dot_general3A_334 = tpu.matmul %get3A_332, %convert_element_type3A, %dot_general3A_333 {dimension_numbers = #tpu.dot_dimension_numbers<[1], [0], [0], [1], [0, 0, 1, 1], [], []>, transpose_lhs_hint = false} : vector<512x256xf32>, vector<256x1024xbf16>, vector<512x1024xf32> -> vector<512x1024xf32>
    %mul3A_335 = arith.mulf %get3A_332, %get3A_332 : vector<512x256xf32>
    %reduce_sum3A_336 = arith.constant dense<0.000000e+00> : vector<512xf32>
    %reduce_sum3A_337 = vector.multi_reduction <add>, %mul3A_335, %reduce_sum3A_336 [1] : vector<512x256xf32> to vector<512xf32>
    %broadcast_in_dim3A_338 = vector.shape_cast %get3A_10 : vector<1024xf32> to vector<1x1024xf32>
    %sub3A_339 = vector.broadcast %broadcast_in_dim3A_338 : vector<1x1024xf32> to vector<512x1024xf32>
    %sub3A_340 = arith.subf %sub3A_339, %dot_general3A_334 : vector<512x1024xf32>
    %broadcast_in_dim3A_341 = vector.shape_cast %reduce_sum3A_337 : vector<512xf32> to vector<512x1xf32>
    %add3A_342 = vector.broadcast %broadcast_in_dim3A_341 : vector<512x1xf32> to vector<512x1024xf32>
    %add3A_343 = arith.addf %sub3A_340, %add3A_342 : vector<512x1024xf32>
    %reduce_min3A_344 = arith.constant dense<0x7F800000> : vector<1024xf32>
    %reduce_min3A_345 = vector.multi_reduction <minimumf>, %add3A_343, %reduce_min3A_344 [0] : vector<512x1024xf32> to vector<1024xf32>
    %iota3A_346 = tpu.iota {dimensions = array<i32: 0>} : vector<512x1024xi32>
    %add3A_347 = arith.constant 4352 : i32
    %add3A_348 = vector.broadcast %add3A_347 : i32 to vector<512x1024xi32>
    %add3A_349 = arith.addi %iota3A_346, %add3A_348 : vector<512x1024xi32>
    %broadcast_in_dim3A_350 = vector.shape_cast %reduce_min3A_345 : vector<1024xf32> to vector<1x1024xf32>
    %eq3A_351 = vector.broadcast %broadcast_in_dim3A_350 : vector<1x1024xf32> to vector<512x1024xf32>
    %eq3A_352 = arith.cmpf oeq, %add3A_343, %eq3A_351 : vector<512x1024xf32>
    %jit3A_353 = arith.constant 1073741824 : i32
    %broadcast_in_dim3A_354 = vector.broadcast %jit3A_353 : i32 to vector<512x1024xi32>
    %select_n3A_355 = arith.select %eq3A_352, %add3A_349, %broadcast_in_dim3A_354 : vector<512x1024xi1>, vector<512x1024xi32>
    %reduce_min3A_356 = arith.constant dense<2147483647> : vector<1024xi32>
    %reduce_min3A_357 = vector.multi_reduction <minsi>, %select_n3A_355, %reduce_min3A_356 [0] : vector<512x1024xi32> to vector<1024xi32>
    %lt3A_358 = arith.cmpf olt, %reduce_min3A_345, %select_n3A_329 : vector<1024xf32>
    %eq3A_359 = arith.cmpf oeq, %reduce_min3A_345, %select_n3A_329 : vector<1024xf32>
    %lt3A_360 = arith.cmpi slt, %reduce_min3A_357, %select_n3A_327 : vector<1024xi32>
    %and3A_361 = arith.andi %eq3A_359, %lt3A_360 : vector<1024xi1>
    %or3A_362 = arith.ori %lt3A_358, %and3A_361 : vector<1024xi1>
    %select_n3A_363 = arith.select %or3A_362, %reduce_min3A_357, %select_n3A_327 : vector<1024xi1>, vector<1024xi32>
    %select_n3A_364 = arith.select %or3A_362, %reduce_min3A_345, %select_n3A_328 : vector<1024xi1>, vector<1024xf32>
    %select_n3A_365 = arith.select %or3A_362, %reduce_min3A_345, %select_n3A_329 : vector<1024xi1>, vector<1024xf32>
    %get3A_366 = arith.constant 4864 : index
    %get3A_367 = arith.constant 0 : index
    %get3A_368 = vector.load %arg2[%get3A_366, %get3A_367] : memref<8192x256xf32, #tpu.memory_space<vmem>>, vector<512x256xf32>
    %dot_general3A_369 = arith.constant dense<0.000000e+00> : vector<512x1024xf32>
    %dot_general3A_370 = tpu.matmul %get3A_368, %convert_element_type3A, %dot_general3A_369 {dimension_numbers = #tpu.dot_dimension_numbers<[1], [0], [0], [1], [0, 0, 1, 1], [], []>, transpose_lhs_hint = false} : vector<512x256xf32>, vector<256x1024xbf16>, vector<512x1024xf32> -> vector<512x1024xf32>
    %mul3A_371 = arith.mulf %get3A_368, %get3A_368 : vector<512x256xf32>
    %reduce_sum3A_372 = arith.constant dense<0.000000e+00> : vector<512xf32>
    %reduce_sum3A_373 = vector.multi_reduction <add>, %mul3A_371, %reduce_sum3A_372 [1] : vector<512x256xf32> to vector<512xf32>
    %broadcast_in_dim3A_374 = vector.shape_cast %get3A_10 : vector<1024xf32> to vector<1x1024xf32>
    %sub3A_375 = vector.broadcast %broadcast_in_dim3A_374 : vector<1x1024xf32> to vector<512x1024xf32>
    %sub3A_376 = arith.subf %sub3A_375, %dot_general3A_370 : vector<512x1024xf32>
    %broadcast_in_dim3A_377 = vector.shape_cast %reduce_sum3A_373 : vector<512xf32> to vector<512x1xf32>
    %add3A_378 = vector.broadcast %broadcast_in_dim3A_377 : vector<512x1xf32> to vector<512x1024xf32>
    %add3A_379 = arith.addf %sub3A_376, %add3A_378 : vector<512x1024xf32>
    %reduce_min3A_380 = arith.constant dense<0x7F800000> : vector<1024xf32>
    %reduce_min3A_381 = vector.multi_reduction <minimumf>, %add3A_379, %reduce_min3A_380 [0] : vector<512x1024xf32> to vector<1024xf32>
    %iota3A_382 = tpu.iota {dimensions = array<i32: 0>} : vector<512x1024xi32>
    %add3A_383 = arith.constant 4864 : i32
    %add3A_384 = vector.broadcast %add3A_383 : i32 to vector<512x1024xi32>
    %add3A_385 = arith.addi %iota3A_382, %add3A_384 : vector<512x1024xi32>
    %broadcast_in_dim3A_386 = vector.shape_cast %reduce_min3A_381 : vector<1024xf32> to vector<1x1024xf32>
    %eq3A_387 = vector.broadcast %broadcast_in_dim3A_386 : vector<1x1024xf32> to vector<512x1024xf32>
    %eq3A_388 = arith.cmpf oeq, %add3A_379, %eq3A_387 : vector<512x1024xf32>
    %jit3A_389 = arith.constant 1073741824 : i32
    %broadcast_in_dim3A_390 = vector.broadcast %jit3A_389 : i32 to vector<512x1024xi32>
    %select_n3A_391 = arith.select %eq3A_388, %add3A_385, %broadcast_in_dim3A_390 : vector<512x1024xi1>, vector<512x1024xi32>
    %reduce_min3A_392 = arith.constant dense<2147483647> : vector<1024xi32>
    %reduce_min3A_393 = vector.multi_reduction <minsi>, %select_n3A_391, %reduce_min3A_392 [0] : vector<512x1024xi32> to vector<1024xi32>
    %lt3A_394 = arith.cmpf olt, %reduce_min3A_381, %select_n3A_365 : vector<1024xf32>
    %eq3A_395 = arith.cmpf oeq, %reduce_min3A_381, %select_n3A_365 : vector<1024xf32>
    %lt3A_396 = arith.cmpi slt, %reduce_min3A_393, %select_n3A_363 : vector<1024xi32>
    %and3A_397 = arith.andi %eq3A_395, %lt3A_396 : vector<1024xi1>
    %or3A_398 = arith.ori %lt3A_394, %and3A_397 : vector<1024xi1>
    %select_n3A_399 = arith.select %or3A_398, %reduce_min3A_393, %select_n3A_363 : vector<1024xi1>, vector<1024xi32>
    %select_n3A_400 = arith.select %or3A_398, %reduce_min3A_381, %select_n3A_364 : vector<1024xi1>, vector<1024xf32>
    %select_n3A_401 = arith.select %or3A_398, %reduce_min3A_381, %select_n3A_365 : vector<1024xi1>, vector<1024xf32>
    %get3A_402 = arith.constant 5376 : index
    %get3A_403 = arith.constant 0 : index
    %get3A_404 = vector.load %arg2[%get3A_402, %get3A_403] : memref<8192x256xf32, #tpu.memory_space<vmem>>, vector<256x256xf32>
    %dot_general3A_405 = arith.constant dense<0.000000e+00> : vector<256x1024xf32>
    %dot_general3A_406 = tpu.matmul %get3A_404, %convert_element_type3A, %dot_general3A_405 {dimension_numbers = #tpu.dot_dimension_numbers<[1], [0], [0], [1], [0, 0, 1, 1], [], []>, transpose_lhs_hint = false} : vector<256x256xf32>, vector<256x1024xbf16>, vector<256x1024xf32> -> vector<256x1024xf32>
    %mul3A_407 = arith.mulf %get3A_404, %get3A_404 : vector<256x256xf32>
    %reduce_sum3A_408 = arith.constant dense<0.000000e+00> : vector<256xf32>
    %reduce_sum3A_409 = vector.multi_reduction <add>, %mul3A_407, %reduce_sum3A_408 [1] : vector<256x256xf32> to vector<256xf32>
    %broadcast_in_dim3A_410 = vector.shape_cast %get3A_10 : vector<1024xf32> to vector<1x1024xf32>
    %sub3A_411 = vector.broadcast %broadcast_in_dim3A_410 : vector<1x1024xf32> to vector<256x1024xf32>
    %sub3A_412 = arith.subf %sub3A_411, %dot_general3A_406 : vector<256x1024xf32>
    %broadcast_in_dim3A_413 = vector.shape_cast %reduce_sum3A_409 : vector<256xf32> to vector<256x1xf32>
    %add3A_414 = vector.broadcast %broadcast_in_dim3A_413 : vector<256x1xf32> to vector<256x1024xf32>
    %add3A_415 = arith.addf %sub3A_412, %add3A_414 : vector<256x1024xf32>
    %reduce_min3A_416 = arith.constant dense<0x7F800000> : vector<1024xf32>
    %reduce_min3A_417 = vector.multi_reduction <minimumf>, %add3A_415, %reduce_min3A_416 [0] : vector<256x1024xf32> to vector<1024xf32>
    %iota3A_418 = tpu.iota {dimensions = array<i32: 0>} : vector<256x1024xi32>
    %add3A_419 = arith.constant 5376 : i32
    %add3A_420 = vector.broadcast %add3A_419 : i32 to vector<256x1024xi32>
    %add3A_421 = arith.addi %iota3A_418, %add3A_420 : vector<256x1024xi32>
    %broadcast_in_dim3A_422 = vector.shape_cast %reduce_min3A_417 : vector<1024xf32> to vector<1x1024xf32>
    %eq3A_423 = vector.broadcast %broadcast_in_dim3A_422 : vector<1x1024xf32> to vector<256x1024xf32>
    %eq3A_424 = arith.cmpf oeq, %add3A_415, %eq3A_423 : vector<256x1024xf32>
    %jit3A_425 = arith.constant 1073741824 : i32
    %broadcast_in_dim3A_426 = vector.broadcast %jit3A_425 : i32 to vector<256x1024xi32>
    %select_n3A_427 = arith.select %eq3A_424, %add3A_421, %broadcast_in_dim3A_426 : vector<256x1024xi1>, vector<256x1024xi32>
    %reduce_min3A_428 = arith.constant dense<2147483647> : vector<1024xi32>
    %reduce_min3A_429 = vector.multi_reduction <minsi>, %select_n3A_427, %reduce_min3A_428 [0] : vector<256x1024xi32> to vector<1024xi32>
    %lt3A_430 = arith.cmpf olt, %reduce_min3A_417, %select_n3A_401 : vector<1024xf32>
    %eq3A_431 = arith.cmpf oeq, %reduce_min3A_417, %select_n3A_401 : vector<1024xf32>
    %lt3A_432 = arith.cmpi slt, %reduce_min3A_429, %select_n3A_399 : vector<1024xi32>
    %and3A_433 = arith.andi %eq3A_431, %lt3A_432 : vector<1024xi1>
    %or3A_434 = arith.ori %lt3A_430, %and3A_433 : vector<1024xi1>
    %select_n3A_435 = arith.select %or3A_434, %reduce_min3A_429, %select_n3A_399 : vector<1024xi1>, vector<1024xi32>
    %select_n3A_436 = arith.select %or3A_434, %reduce_min3A_417, %select_n3A_400 : vector<1024xi1>, vector<1024xf32>
    %select_n3A_437 = arith.select %or3A_434, %reduce_min3A_417, %select_n3A_401 : vector<1024xi1>, vector<1024xf32>
    %convert_element_type3A_438 = arith.truncf %select_n3A_437 : vector<1024xf32> to vector<1024xbf16>
    %convert_element_type3A_439 = arith.extf %convert_element_type3A_438 : vector<1024xbf16> to vector<1024xf32>
    %get3A_440 = arith.constant 5632 : index
    %get3A_441 = arith.constant 0 : index
    %get3A_442 = vector.load %arg2[%get3A_440, %get3A_441] : memref<8192x256xf32, #tpu.memory_space<vmem>>, vector<512x256xf32>
    %dot_general3A_443 = arith.constant dense<0.000000e+00> : vector<512x1024xf32>
    %dot_general3A_444 = tpu.matmul %get3A_442, %convert_element_type3A, %dot_general3A_443 {dimension_numbers = #tpu.dot_dimension_numbers<[1], [0], [0], [1], [0, 0, 1, 1], [], []>, transpose_lhs_hint = false} : vector<512x256xf32>, vector<256x1024xbf16>, vector<512x1024xf32> -> vector<512x1024xf32>
    %mul3A_445 = arith.mulf %get3A_442, %get3A_442 : vector<512x256xf32>
    %reduce_sum3A_446 = arith.constant dense<0.000000e+00> : vector<512xf32>
    %reduce_sum3A_447 = vector.multi_reduction <add>, %mul3A_445, %reduce_sum3A_446 [1] : vector<512x256xf32> to vector<512xf32>
    %broadcast_in_dim3A_448 = vector.shape_cast %get3A_10 : vector<1024xf32> to vector<1x1024xf32>
    %sub3A_449 = vector.broadcast %broadcast_in_dim3A_448 : vector<1x1024xf32> to vector<512x1024xf32>
    %sub3A_450 = arith.subf %sub3A_449, %dot_general3A_444 : vector<512x1024xf32>
    %broadcast_in_dim3A_451 = vector.shape_cast %reduce_sum3A_447 : vector<512xf32> to vector<512x1xf32>
    %add3A_452 = vector.broadcast %broadcast_in_dim3A_451 : vector<512x1xf32> to vector<512x1024xf32>
    %add3A_453 = arith.addf %sub3A_450, %add3A_452 : vector<512x1024xf32>
    %reduce_min3A_454 = arith.constant dense<0x7F800000> : vector<1024xf32>
    %reduce_min3A_455 = vector.multi_reduction <minimumf>, %add3A_453, %reduce_min3A_454 [0] : vector<512x1024xf32> to vector<1024xf32>
    %iota3A_456 = tpu.iota {dimensions = array<i32: 0>} : vector<512x1024xi32>
    %add3A_457 = arith.constant 5632 : i32
    %add3A_458 = vector.broadcast %add3A_457 : i32 to vector<512x1024xi32>
    %add3A_459 = arith.addi %iota3A_456, %add3A_458 : vector<512x1024xi32>
    %broadcast_in_dim3A_460 = vector.shape_cast %reduce_min3A_455 : vector<1024xf32> to vector<1x1024xf32>
    %eq3A_461 = vector.broadcast %broadcast_in_dim3A_460 : vector<1x1024xf32> to vector<512x1024xf32>
    %eq3A_462 = arith.cmpf oeq, %add3A_453, %eq3A_461 : vector<512x1024xf32>
    %jit3A_463 = arith.constant 1073741824 : i32
    %broadcast_in_dim3A_464 = vector.broadcast %jit3A_463 : i32 to vector<512x1024xi32>
    %select_n3A_465 = arith.select %eq3A_462, %add3A_459, %broadcast_in_dim3A_464 : vector<512x1024xi1>, vector<512x1024xi32>
    %reduce_min3A_466 = arith.constant dense<2147483647> : vector<1024xi32>
    %reduce_min3A_467 = vector.multi_reduction <minsi>, %select_n3A_465, %reduce_min3A_466 [0] : vector<512x1024xi32> to vector<1024xi32>
    %lt3A_468 = arith.cmpf olt, %reduce_min3A_455, %convert_element_type3A_439 : vector<1024xf32>
    %eq3A_469 = arith.cmpf oeq, %reduce_min3A_455, %convert_element_type3A_439 : vector<1024xf32>
    %lt3A_470 = arith.cmpi slt, %reduce_min3A_467, %select_n3A_435 : vector<1024xi32>
    %and3A_471 = arith.andi %eq3A_469, %lt3A_470 : vector<1024xi1>
    %or3A_472 = arith.ori %lt3A_468, %and3A_471 : vector<1024xi1>
    %select_n3A_473 = arith.select %or3A_472, %reduce_min3A_467, %select_n3A_435 : vector<1024xi1>, vector<1024xi32>
    %select_n3A_474 = arith.select %or3A_472, %reduce_min3A_455, %select_n3A_436 : vector<1024xi1>, vector<1024xf32>
    %select_n3A_475 = arith.select %or3A_472, %reduce_min3A_455, %convert_element_type3A_439 : vector<1024xi1>, vector<1024xf32>
    %get3A_476 = arith.constant 6144 : index
    %get3A_477 = arith.constant 0 : index
    %get3A_478 = vector.load %arg2[%get3A_476, %get3A_477] : memref<8192x256xf32, #tpu.memory_space<vmem>>, vector<512x256xf32>
    %dot_general3A_479 = arith.constant dense<0.000000e+00> : vector<512x1024xf32>
    %dot_general3A_480 = tpu.matmul %get3A_478, %convert_element_type3A, %dot_general3A_479 {dimension_numbers = #tpu.dot_dimension_numbers<[1], [0], [0], [1], [0, 0, 1, 1], [], []>, transpose_lhs_hint = false} : vector<512x256xf32>, vector<256x1024xbf16>, vector<512x1024xf32> -> vector<512x1024xf32>
    %mul3A_481 = arith.mulf %get3A_478, %get3A_478 : vector<512x256xf32>
    %reduce_sum3A_482 = arith.constant dense<0.000000e+00> : vector<512xf32>
    %reduce_sum3A_483 = vector.multi_reduction <add>, %mul3A_481, %reduce_sum3A_482 [1] : vector<512x256xf32> to vector<512xf32>
    %broadcast_in_dim3A_484 = vector.shape_cast %get3A_10 : vector<1024xf32> to vector<1x1024xf32>
    %sub3A_485 = vector.broadcast %broadcast_in_dim3A_484 : vector<1x1024xf32> to vector<512x1024xf32>
    %sub3A_486 = arith.subf %sub3A_485, %dot_general3A_480 : vector<512x1024xf32>
    %broadcast_in_dim3A_487 = vector.shape_cast %reduce_sum3A_483 : vector<512xf32> to vector<512x1xf32>
    %add3A_488 = vector.broadcast %broadcast_in_dim3A_487 : vector<512x1xf32> to vector<512x1024xf32>
    %add3A_489 = arith.addf %sub3A_486, %add3A_488 : vector<512x1024xf32>
    %reduce_min3A_490 = arith.constant dense<0x7F800000> : vector<1024xf32>
    %reduce_min3A_491 = vector.multi_reduction <minimumf>, %add3A_489, %reduce_min3A_490 [0] : vector<512x1024xf32> to vector<1024xf32>
    %iota3A_492 = tpu.iota {dimensions = array<i32: 0>} : vector<512x1024xi32>
    %add3A_493 = arith.constant 6144 : i32
    %add3A_494 = vector.broadcast %add3A_493 : i32 to vector<512x1024xi32>
    %add3A_495 = arith.addi %iota3A_492, %add3A_494 : vector<512x1024xi32>
    %broadcast_in_dim3A_496 = vector.shape_cast %reduce_min3A_491 : vector<1024xf32> to vector<1x1024xf32>
    %eq3A_497 = vector.broadcast %broadcast_in_dim3A_496 : vector<1x1024xf32> to vector<512x1024xf32>
    %eq3A_498 = arith.cmpf oeq, %add3A_489, %eq3A_497 : vector<512x1024xf32>
    %jit3A_499 = arith.constant 1073741824 : i32
    %broadcast_in_dim3A_500 = vector.broadcast %jit3A_499 : i32 to vector<512x1024xi32>
    %select_n3A_501 = arith.select %eq3A_498, %add3A_495, %broadcast_in_dim3A_500 : vector<512x1024xi1>, vector<512x1024xi32>
    %reduce_min3A_502 = arith.constant dense<2147483647> : vector<1024xi32>
    %reduce_min3A_503 = vector.multi_reduction <minsi>, %select_n3A_501, %reduce_min3A_502 [0] : vector<512x1024xi32> to vector<1024xi32>
    %lt3A_504 = arith.cmpf olt, %reduce_min3A_491, %select_n3A_475 : vector<1024xf32>
    %eq3A_505 = arith.cmpf oeq, %reduce_min3A_491, %select_n3A_475 : vector<1024xf32>
    %lt3A_506 = arith.cmpi slt, %reduce_min3A_503, %select_n3A_473 : vector<1024xi32>
    %and3A_507 = arith.andi %eq3A_505, %lt3A_506 : vector<1024xi1>
    %or3A_508 = arith.ori %lt3A_504, %and3A_507 : vector<1024xi1>
    %select_n3A_509 = arith.select %or3A_508, %reduce_min3A_503, %select_n3A_473 : vector<1024xi1>, vector<1024xi32>
    %select_n3A_510 = arith.select %or3A_508, %reduce_min3A_491, %select_n3A_474 : vector<1024xi1>, vector<1024xf32>
    %select_n3A_511 = arith.select %or3A_508, %reduce_min3A_491, %select_n3A_475 : vector<1024xi1>, vector<1024xf32>
    %get3A_512 = arith.constant 6656 : index
    %get3A_513 = arith.constant 0 : index
    %get3A_514 = vector.load %arg2[%get3A_512, %get3A_513] : memref<8192x256xf32, #tpu.memory_space<vmem>>, vector<512x256xf32>
    %dot_general3A_515 = arith.constant dense<0.000000e+00> : vector<512x1024xf32>
    %dot_general3A_516 = tpu.matmul %get3A_514, %convert_element_type3A, %dot_general3A_515 {dimension_numbers = #tpu.dot_dimension_numbers<[1], [0], [0], [1], [0, 0, 1, 1], [], []>, transpose_lhs_hint = false} : vector<512x256xf32>, vector<256x1024xbf16>, vector<512x1024xf32> -> vector<512x1024xf32>
    %mul3A_517 = arith.mulf %get3A_514, %get3A_514 : vector<512x256xf32>
    %reduce_sum3A_518 = arith.constant dense<0.000000e+00> : vector<512xf32>
    %reduce_sum3A_519 = vector.multi_reduction <add>, %mul3A_517, %reduce_sum3A_518 [1] : vector<512x256xf32> to vector<512xf32>
    %broadcast_in_dim3A_520 = vector.shape_cast %get3A_10 : vector<1024xf32> to vector<1x1024xf32>
    %sub3A_521 = vector.broadcast %broadcast_in_dim3A_520 : vector<1x1024xf32> to vector<512x1024xf32>
    %sub3A_522 = arith.subf %sub3A_521, %dot_general3A_516 : vector<512x1024xf32>
    %broadcast_in_dim3A_523 = vector.shape_cast %reduce_sum3A_519 : vector<512xf32> to vector<512x1xf32>
    %add3A_524 = vector.broadcast %broadcast_in_dim3A_523 : vector<512x1xf32> to vector<512x1024xf32>
    %add3A_525 = arith.addf %sub3A_522, %add3A_524 : vector<512x1024xf32>
    %reduce_min3A_526 = arith.constant dense<0x7F800000> : vector<1024xf32>
    %reduce_min3A_527 = vector.multi_reduction <minimumf>, %add3A_525, %reduce_min3A_526 [0] : vector<512x1024xf32> to vector<1024xf32>
    %iota3A_528 = tpu.iota {dimensions = array<i32: 0>} : vector<512x1024xi32>
    %add3A_529 = arith.constant 6656 : i32
    %add3A_530 = vector.broadcast %add3A_529 : i32 to vector<512x1024xi32>
    %add3A_531 = arith.addi %iota3A_528, %add3A_530 : vector<512x1024xi32>
    %broadcast_in_dim3A_532 = vector.shape_cast %reduce_min3A_527 : vector<1024xf32> to vector<1x1024xf32>
    %eq3A_533 = vector.broadcast %broadcast_in_dim3A_532 : vector<1x1024xf32> to vector<512x1024xf32>
    %eq3A_534 = arith.cmpf oeq, %add3A_525, %eq3A_533 : vector<512x1024xf32>
    %jit3A_535 = arith.constant 1073741824 : i32
    %broadcast_in_dim3A_536 = vector.broadcast %jit3A_535 : i32 to vector<512x1024xi32>
    %select_n3A_537 = arith.select %eq3A_534, %add3A_531, %broadcast_in_dim3A_536 : vector<512x1024xi1>, vector<512x1024xi32>
    %reduce_min3A_538 = arith.constant dense<2147483647> : vector<1024xi32>
    %reduce_min3A_539 = vector.multi_reduction <minsi>, %select_n3A_537, %reduce_min3A_538 [0] : vector<512x1024xi32> to vector<1024xi32>
    %lt3A_540 = arith.cmpf olt, %reduce_min3A_527, %select_n3A_511 : vector<1024xf32>
    %eq3A_541 = arith.cmpf oeq, %reduce_min3A_527, %select_n3A_511 : vector<1024xf32>
    %lt3A_542 = arith.cmpi slt, %reduce_min3A_539, %select_n3A_509 : vector<1024xi32>
    %and3A_543 = arith.andi %eq3A_541, %lt3A_542 : vector<1024xi1>
    %or3A_544 = arith.ori %lt3A_540, %and3A_543 : vector<1024xi1>
    %select_n3A_545 = arith.select %or3A_544, %reduce_min3A_539, %select_n3A_509 : vector<1024xi1>, vector<1024xi32>
    %select_n3A_546 = arith.select %or3A_544, %reduce_min3A_527, %select_n3A_510 : vector<1024xi1>, vector<1024xf32>
    %select_n3A_547 = arith.select %or3A_544, %reduce_min3A_527, %select_n3A_511 : vector<1024xi1>, vector<1024xf32>
    %get3A_548 = arith.constant 7168 : index
    %get3A_549 = arith.constant 0 : index
    %get3A_550 = vector.load %arg2[%get3A_548, %get3A_549] : memref<8192x256xf32, #tpu.memory_space<vmem>>, vector<512x256xf32>
    %dot_general3A_551 = arith.constant dense<0.000000e+00> : vector<512x1024xf32>
    %dot_general3A_552 = tpu.matmul %get3A_550, %convert_element_type3A, %dot_general3A_551 {dimension_numbers = #tpu.dot_dimension_numbers<[1], [0], [0], [1], [0, 0, 1, 1], [], []>, transpose_lhs_hint = false} : vector<512x256xf32>, vector<256x1024xbf16>, vector<512x1024xf32> -> vector<512x1024xf32>
    %mul3A_553 = arith.mulf %get3A_550, %get3A_550 : vector<512x256xf32>
    %reduce_sum3A_554 = arith.constant dense<0.000000e+00> : vector<512xf32>
    %reduce_sum3A_555 = vector.multi_reduction <add>, %mul3A_553, %reduce_sum3A_554 [1] : vector<512x256xf32> to vector<512xf32>
    %broadcast_in_dim3A_556 = vector.shape_cast %get3A_10 : vector<1024xf32> to vector<1x1024xf32>
    %sub3A_557 = vector.broadcast %broadcast_in_dim3A_556 : vector<1x1024xf32> to vector<512x1024xf32>
    %sub3A_558 = arith.subf %sub3A_557, %dot_general3A_552 : vector<512x1024xf32>
    %broadcast_in_dim3A_559 = vector.shape_cast %reduce_sum3A_555 : vector<512xf32> to vector<512x1xf32>
    %add3A_560 = vector.broadcast %broadcast_in_dim3A_559 : vector<512x1xf32> to vector<512x1024xf32>
    %add3A_561 = arith.addf %sub3A_558, %add3A_560 : vector<512x1024xf32>
    %reduce_min3A_562 = arith.constant dense<0x7F800000> : vector<1024xf32>
    %reduce_min3A_563 = vector.multi_reduction <minimumf>, %add3A_561, %reduce_min3A_562 [0] : vector<512x1024xf32> to vector<1024xf32>
    %iota3A_564 = tpu.iota {dimensions = array<i32: 0>} : vector<512x1024xi32>
    %add3A_565 = arith.constant 7168 : i32
    %add3A_566 = vector.broadcast %add3A_565 : i32 to vector<512x1024xi32>
    %add3A_567 = arith.addi %iota3A_564, %add3A_566 : vector<512x1024xi32>
    %broadcast_in_dim3A_568 = vector.shape_cast %reduce_min3A_563 : vector<1024xf32> to vector<1x1024xf32>
    %eq3A_569 = vector.broadcast %broadcast_in_dim3A_568 : vector<1x1024xf32> to vector<512x1024xf32>
    %eq3A_570 = arith.cmpf oeq, %add3A_561, %eq3A_569 : vector<512x1024xf32>
    %jit3A_571 = arith.constant 1073741824 : i32
    %broadcast_in_dim3A_572 = vector.broadcast %jit3A_571 : i32 to vector<512x1024xi32>
    %select_n3A_573 = arith.select %eq3A_570, %add3A_567, %broadcast_in_dim3A_572 : vector<512x1024xi1>, vector<512x1024xi32>
    %reduce_min3A_574 = arith.constant dense<2147483647> : vector<1024xi32>
    %reduce_min3A_575 = vector.multi_reduction <minsi>, %select_n3A_573, %reduce_min3A_574 [0] : vector<512x1024xi32> to vector<1024xi32>
    %lt3A_576 = arith.cmpf olt, %reduce_min3A_563, %select_n3A_547 : vector<1024xf32>
    %eq3A_577 = arith.cmpf oeq, %reduce_min3A_563, %select_n3A_547 : vector<1024xf32>
    %lt3A_578 = arith.cmpi slt, %reduce_min3A_575, %select_n3A_545 : vector<1024xi32>
    %and3A_579 = arith.andi %eq3A_577, %lt3A_578 : vector<1024xi1>
    %or3A_580 = arith.ori %lt3A_576, %and3A_579 : vector<1024xi1>
    %select_n3A_581 = arith.select %or3A_580, %reduce_min3A_575, %select_n3A_545 : vector<1024xi1>, vector<1024xi32>
    %select_n3A_582 = arith.select %or3A_580, %reduce_min3A_563, %select_n3A_546 : vector<1024xi1>, vector<1024xf32>
    %select_n3A_583 = arith.select %or3A_580, %reduce_min3A_563, %select_n3A_547 : vector<1024xi1>, vector<1024xf32>
    %get3A_584 = arith.constant 7680 : index
    %get3A_585 = arith.constant 0 : index
    %get3A_586 = vector.load %arg2[%get3A_584, %get3A_585] : memref<8192x256xf32, #tpu.memory_space<vmem>>, vector<512x256xf32>
    %dot_general3A_587 = arith.constant dense<0.000000e+00> : vector<512x1024xf32>
    %dot_general3A_588 = tpu.matmul %get3A_586, %convert_element_type3A, %dot_general3A_587 {dimension_numbers = #tpu.dot_dimension_numbers<[1], [0], [0], [1], [0, 0, 1, 1], [], []>, transpose_lhs_hint = false} : vector<512x256xf32>, vector<256x1024xbf16>, vector<512x1024xf32> -> vector<512x1024xf32>
    %mul3A_589 = arith.mulf %get3A_586, %get3A_586 : vector<512x256xf32>
    %reduce_sum3A_590 = arith.constant dense<0.000000e+00> : vector<512xf32>
    %reduce_sum3A_591 = vector.multi_reduction <add>, %mul3A_589, %reduce_sum3A_590 [1] : vector<512x256xf32> to vector<512xf32>
    %broadcast_in_dim3A_592 = vector.shape_cast %get3A_10 : vector<1024xf32> to vector<1x1024xf32>
    %sub3A_593 = vector.broadcast %broadcast_in_dim3A_592 : vector<1x1024xf32> to vector<512x1024xf32>
    %sub3A_594 = arith.subf %sub3A_593, %dot_general3A_588 : vector<512x1024xf32>
    %broadcast_in_dim3A_595 = vector.shape_cast %reduce_sum3A_591 : vector<512xf32> to vector<512x1xf32>
    %add3A_596 = vector.broadcast %broadcast_in_dim3A_595 : vector<512x1xf32> to vector<512x1024xf32>
    %add3A_597 = arith.addf %sub3A_594, %add3A_596 : vector<512x1024xf32>
    %reduce_min3A_598 = arith.constant dense<0x7F800000> : vector<1024xf32>
    %reduce_min3A_599 = vector.multi_reduction <minimumf>, %add3A_597, %reduce_min3A_598 [0] : vector<512x1024xf32> to vector<1024xf32>
    %iota3A_600 = tpu.iota {dimensions = array<i32: 0>} : vector<512x1024xi32>
    %add3A_601 = arith.constant 7680 : i32
    %add3A_602 = vector.broadcast %add3A_601 : i32 to vector<512x1024xi32>
    %add3A_603 = arith.addi %iota3A_600, %add3A_602 : vector<512x1024xi32>
    %broadcast_in_dim3A_604 = vector.shape_cast %reduce_min3A_599 : vector<1024xf32> to vector<1x1024xf32>
    %eq3A_605 = vector.broadcast %broadcast_in_dim3A_604 : vector<1x1024xf32> to vector<512x1024xf32>
    %eq3A_606 = arith.cmpf oeq, %add3A_597, %eq3A_605 : vector<512x1024xf32>
    %jit3A_607 = arith.constant 1073741824 : i32
    %broadcast_in_dim3A_608 = vector.broadcast %jit3A_607 : i32 to vector<512x1024xi32>
    %select_n3A_609 = arith.select %eq3A_606, %add3A_603, %broadcast_in_dim3A_608 : vector<512x1024xi1>, vector<512x1024xi32>
    %reduce_min3A_610 = arith.constant dense<2147483647> : vector<1024xi32>
    %reduce_min3A_611 = vector.multi_reduction <minsi>, %select_n3A_609, %reduce_min3A_610 [0] : vector<512x1024xi32> to vector<1024xi32>
    %lt3A_612 = arith.cmpf olt, %reduce_min3A_599, %select_n3A_583 : vector<1024xf32>
    %eq3A_613 = arith.cmpf oeq, %reduce_min3A_599, %select_n3A_583 : vector<1024xf32>
    %lt3A_614 = arith.cmpi slt, %reduce_min3A_611, %select_n3A_581 : vector<1024xi32>
    %and3A_615 = arith.andi %eq3A_613, %lt3A_614 : vector<1024xi1>
    %or3A_616 = arith.ori %lt3A_612, %and3A_615 : vector<1024xi1>
    %select_n3A_617 = arith.select %or3A_616, %reduce_min3A_611, %select_n3A_581 : vector<1024xi1>, vector<1024xi32>
    %select_n3A_618 = arith.select %or3A_616, %reduce_min3A_599, %select_n3A_582 : vector<1024xi1>, vector<1024xf32>
    %swap3A = arith.constant 0 : index
    %swap3A_619 = arith.constant 0 : index
    %swap3A_620 = arith.constant 0 : index
    %swap3A_621 = vector.load %arg4[%swap3A, %swap3A_619, %swap3A_620] : memref<1x1x1024xi32, #tpu.memory_space<vmem>>, vector<1x1x1024xi32>
    %swap3A_622 = vector.shape_cast %swap3A_621 : vector<1x1x1024xi32> to vector<1024xi32>
    %swap3A_623 = vector.shape_cast %select_n3A_617 : vector<1024xi32> to vector<1x1x1024xi32>
    tpu.vector_store %arg4[%swap3A, %swap3A_619, %swap3A_620], %swap3A_623 {strides = array<i32>} : memref<1x1x1024xi32, #tpu.memory_space<vmem>>, vector<1x1x1024xi32>,
    %reduce_sum3A_624 = vector.shape_cast %select_n3A_618 : vector<1024xf32> to vector<1x1024xf32>
    %reduce_sum3A_625 = arith.constant dense<0.000000e+00> : vector<1xf32>
    %reduce_sum3A_626 = vector.multi_reduction <add>, %reduce_sum3A_624, %reduce_sum3A_625 [1] : vector<1x1024xf32> to vector<1xf32>
    %reduce_sum3A_627 = vector.shape_cast %reduce_sum3A_626 : vector<1xf32> to vector<1x1xf32>
    %reduce_sum3A_628 = vector.extract %reduce_sum3A_627[0, 0] : f32 from vector<1x1xf32>
    %eq3A_629 = arith.constant 0 : i32
    %eq3A_630 = arith.cmpi eq, %arg0, %eq3A_629 : i32
    %get3A_631 = arith.constant 0 : index
    %get3A_632 = arith.constant 0 : index
    %get3A_633 = memref.load %arg5[%get3A_631, %get3A_632] : memref<1x1xf32, #tpu.memory_space<smem>>
    %jit3A_634 = arith.constant 0.000000e+00 : f32
    %select_n3A_635 = arith.select %eq3A_630, %jit3A_634, %get3A_633 : f32
    %add3A_636 = arith.addf %select_n3A_635, %reduce_sum3A_628 : f32
    %eq3A_637 = arith.constant 7 : i32
    %eq3A_638 = arith.cmpi eq, %arg0, %eq3A_637 : i32
    %mul3A_639 = arith.constant 5.96046448E-7 : f32
    %mul3A_640 = arith.mulf %add3A_636, %mul3A_639 : f32
    %select_n3A_641 = arith.select %eq3A_638, %mul3A_640, %add3A_636 : f32
    %swap3A_642 = arith.constant 0 : index
    %swap3A_643 = arith.constant 0 : index
    %swap3A_644 = memref.load %arg5[%swap3A_642, %swap3A_643] : memref<1x1xf32, #tpu.memory_space<smem>>
    memref.store %select_n3A_641, %arg5[%swap3A_642, %swap3A_643] : memref<1x1xf32, #tpu.memory_space<smem>>
    return
  }
  func.func @transform_0(%arg0: i32) -> (i32, i32, i32) {
    %c0_i32 = arith.constant 0 : i32
    %c0_i32_0 = arith.constant 0 : i32
    %c0_i32_1 = arith.constant 0 : i32
    return %arg0, %c0_i32, %c0_i32_0 : i32, i32, i32
  }
  func.func @transform_1(%arg0: i32) -> (i32, i32) {
    %c0_i32 = arith.constant 0 : i32
    %c0_i32_0 = arith.constant 0 : i32
    %c0_i32_1 = arith.constant 0 : i32
    return %c0_i32, %c0_i32_0 : i32, i32
  }
  func.func @transform_2(%arg0: i32) -> (i32, i32, i32) {
    %c0_i32 = arith.constant 0 : i32
    %c0_i32_0 = arith.constant 0 : i32
    %c0_i32_1 = arith.constant 0 : i32
    return %arg0, %c0_i32, %c0_i32_0 : i32, i32, i32
  }
  func.func @transform_3(%arg0: i32) -> (i32, i32, i32) {
    %c0_i32 = arith.constant 0 : i32
    %c0_i32_0 = arith.constant 0 : i32
    %c0_i32_1 = arith.constant 0 : i32
    return %arg0, %c0_i32, %c0_i32_0 : i32, i32, i32
  }
  func.func @transform_4(%arg0: i32) -> (i32, i32) {
    %c0_i32 = arith.constant 0 : i32
    %c0_i32_0 = arith.constant 0 : i32
    %c0_i32_1 = arith.constant 0 : i32
    return %c0_i32, %c0_i32_0 : i32, i32
  }
}

module attributes {stable_mosaic.version = 14 : i64} {
  func.func @_st_kernel(%arg0: i32, %arg1: memref<1x256x1024xf32, #tpu.memory_space<vmem>>, %arg2: memref<1024x256xf32, #tpu.memory_space<vmem>>, %arg3: memref<1x256x1024xf32, #tpu.memory_space<vmem>>) attributes {dimension_semantics = [#tpu.dimension_semantics<arbitrary>], iteration_bounds = array<i64: 8>, scalar_prefetch = 0 : i64, scratch_operands = 0 : i64, tpu.core_type = #tpu.core_type<tc>, window_params = [{transform_indices = @transform_0, window_bounds = array<i64: 1, 256, 1024>}, {transform_indices = @transform_1, window_bounds = array<i64: 1024, 256>}, {transform_indices = @transform_2, window_bounds = array<i64: 1, 256, 1024>}]} {
    %get3A = arith.constant 0 : index
    %get3A_0 = arith.constant 0 : index
    %get3A_1 = arith.constant 0 : index
    %get3A_2 = vector.load %arg1[%get3A, %get3A_0, %get3A_1] : memref<1x256x1024xf32, #tpu.memory_space<vmem>>, vector<1x256x1024xf32>
    %get3A_3 = vector.shape_cast %get3A_2 : vector<1x256x1024xf32> to vector<256x1024xf32>
    %get3A_4 = arith.constant 0 : index
    %get3A_5 = arith.constant 0 : index
    %get3A_6 = vector.load %arg2[%get3A_4, %get3A_5] : memref<1024x256xf32, #tpu.memory_space<vmem>>, vector<1024x256xf32>
    %transpose3A = tpu.transpose %get3A_6, [1, 0] : vector<1024x256xf32> -> vector<256x1024xf32>
    %sub3A = arith.subf %transpose3A, %get3A_3 : vector<256x1024xf32>
    %add3A = arith.addf %get3A_3, %sub3A : vector<256x1024xf32>
    %swap3A = arith.constant 0 : index
    %swap3A_7 = arith.constant 0 : index
    %swap3A_8 = arith.constant 0 : index
    %swap3A_9 = vector.load %arg3[%swap3A, %swap3A_7, %swap3A_8] : memref<1x256x1024xf32, #tpu.memory_space<vmem>>, vector<1x256x1024xf32>
    %swap3A_10 = vector.shape_cast %swap3A_9 : vector<1x256x1024xf32> to vector<256x1024xf32>
    %swap3A_11 = vector.shape_cast %add3A : vector<256x1024xf32> to vector<1x256x1024xf32>
    tpu.vector_store %arg3[%swap3A, %swap3A_7, %swap3A_8], %swap3A_11 {strides = array<i32>} : memref<1x256x1024xf32, #tpu.memory_space<vmem>>, vector<1x256x1024xf32>,
    return
  }
  func.func @transform_0(%arg0: i32) -> (i32, i32, i32) {
    %c0_i32 = arith.constant 0 : i32
    %c0_i32_0 = arith.constant 0 : i32
    %c0_i32_1 = arith.constant 0 : i32
    return %arg0, %c0_i32, %c0_i32_0 : i32, i32, i32
  }
  func.func @transform_1(%arg0: i32) -> (i32, i32) {
    %c0_i32 = arith.constant 0 : i32
    %c0_i32_0 = arith.constant 0 : i32
    return %arg0, %c0_i32 : i32, i32
  }
  func.func @transform_2(%arg0: i32) -> (i32, i32, i32) {
    %c0_i32 = arith.constant 0 : i32
    %c0_i32_0 = arith.constant 0 : i32
    %c0_i32_1 = arith.constant 0 : i32
    return %arg0, %c0_i32, %c0_i32_0 : i32, i32, i32
  }
}

</mosaic_0001>

<sc_bundles>
// kernel: kernel.5.cloned.1.call-start
scs
__scs_entry_jumppad:
0x0: {  	(pc) =	sbr.rel $0x88, $3  }
0x1: {  	(tag) =	ssettag $0x0;
	lr =	simm.s32 $0x1  }
0x2: {  	[smem:$0x3F9F] =	sst lr;
	_ =	strace $0xD0000000  }
0x3: {  	_ = 	snop  }
0x4: {  	_ = 	snop  }
0x5: {  	_ = 	snop  }
0x6: {  	_ = 	snop  }
0x7: {  	_ = 	snop  }
__scs_overlays_trampoline_lowered:
0x8: {  	[smem:$0x3FAE] =	sst s0  }
0x9: {  	[smem:$0x3FAF] =	sst s1  }
0xa: {  	[smem:$0x3FB0] =	sst s2  }
0xb: {  	[smem:$0x3FB1] =	sst s3  }
0xc: {  	[smem:$0x3FB2] =	sst s4  }
0xd: {  	[smem:$0x3FB3] =	sst s5  }
0xe: {  	[smem:$0x3FB4] =	sst s6  }
0xf: {  	[smem:$0x3FB5] =	sst s7  }
0x10: {  	[smem:$0x3FB6] =	sst s8  }
0x11: {  	[smem:$0x3FB7] =	sst s9;
	s0 =	simm.s32 @!p0 $0x0  }
0x12: {  	s1 =	sld [smem:$0x3F9D];
	s0 =	simm.s32 @p0 $0x1  }
0x13: {  	[smem:$0x3FB8] =	sst s0;
	s0 =	simm.s32 @!p1 $0x0  }
0x14: {  	s2 =	sld [smem:$0x3F9C];
	s0 =	simm.s32 @p1 $0x1  }
0x15: {  	[smem:$0x3FB9] =	sst s0;
	s0 =	simm.s32 @!p2 $0x0  }
0x16: {  	s3 =	sld [smem:$0x3FDB];
	s0 =	simm.s32 @p2 $0x1  }
0x17: {  	s4 =	simm.s32 $0x1BF5;
	[smem:$0x3FBB] =	sst s0  }
0x18: {  	s0 =	sld [smem:$0x3F9E];
	_ =	swait.ge [sflag:s4], $0x0  }
0x19: {  	s7 =	sld [smem:$0x3F9F]  }
0x1a: {  	s8 =	sadd.s32 $0xFFFFE003, lr  }
0x1b: {  	s9 =	sadd.s32 $0xFFFFFEF7, lr;
	s5 =	simm.s32 $0xFFFFFFFF;
	p2 =	slt.u32 s8, $0xFFFFF086  }
0x1c: {  	p1 =	slt.u32 s9, $0xF7A;
	s5 =	simm.s32 @!p2 $0x0  }
0x1d: {  	s5 =	simm.s32 @p1 $0x1;
	p0 =	seq.s32 s7, s2  }
0x1e: {  	s7 =	smul.u32 @!p0 $0xF7A, s2;
	p2 =	seq.s32 @!p0 s5, $0x0  }
0x1f: {  	s9 =	smul.u32 $0xF7A, s1;
	s8 =	simm.s32 @!p0 $0x1BF5;
	p2 =	por !p2, p0  }
0x20: {  	[sflag:s8] =	ssyncset.s32 @!p0 $0xFFFFF086;
	s6 =	sadd.s32 @!p0 s3, s7;
	s7 =	simm.s32 @!p0 $0x108  }
0x21: {  	s3 =	sadd.s32 s3, s9;
	s6 =	sadd.s32 @!p0 $0x88, s6;
	s7 =	simm.s32 @p2 $0x1082  }
0x22: {  	[simem:s7], [sflag:s8] =	dma.local @!p0 [hbm:s6], $0xF7A  }
0x23: {  	s9 =	sor.u32 $0xD0000000, s2;
	s6 =	simm.s32 $0x108;
	_ =	swait.ge @!p0 [sflag:s8], $0x0  }
0x24: {  	s3 =	sadd.s32 $0x88, s3;
	s6 =	simm.s32 @!p1 $0x1082;
	[sflag:s4] =	ssyncset.s32 $0xFFFFF086  }
0x25: {  	[simem:s6], [sflag:s4] =	dma.local [hbm:s3], $0xF7A  }
0x26: {  	[smem:$0x3F9F] =	sst s1;
	(tag) =	ssettag s2;
	_ =	strace s9  }
0x27: {  	s1 =	sld [smem:$0x3FAF]  }
0x28: {  	s2 =	sld [smem:$0x3FB0]  }
0x29: {  	s4 =	sld [smem:$0x3FB2]  }
0x2a: {  	p0 =	seq.s32 s5, $0x0;
	s5 =	sld [smem:$0x3FB3]  }
0x2b: {  	s6 =	sld [smem:$0x3FB4]  }
0x2c: {  	s7 =	sld [smem:$0x3FB5]  }
0x2d: {  	s3 =	simm.s32 $0x108;
	s8 =	sld [smem:$0x3FB6]  }
0x2e: {  	s3 =	simm.s32 @!p0 $0x1082;
	s9 =	sld [smem:$0x3FB7]  }
0x2f: {  	lr =	sadd.s32 s0, s3;
	s0 =	sld [smem:$0x3FAE]  }
0x30: {  	s3 =	sld [smem:$0x3FB1]  }
0x31: {  	[smem:$0x3FBA] =	sst s10  }
0x32: {  	s10 =	sld [smem:$0x3FB8];
	_ =	sdelay $0x3  }
0x33: {  	p0 =	seq.s32 s10, $0x1;
	s10 =	sld [smem:$0x3FBA];
	_ =	sdelay $0x3  }
0x34: {  	[smem:$0x3FBA] =	sst s10  }
0x35: {  	s10 =	sld [smem:$0x3FB9];
	_ =	sdelay $0x3  }
0x36: {  	p1 =	seq.s32 s10, $0x1;
	s10 =	sld [smem:$0x3FBA];
	_ =	sdelay $0x3  }
0x37: {  	[smem:$0x3FBA] =	sst s10  }
0x38: {  	s10 =	sld [smem:$0x3FBB]  }
0x39: {  	_ = 	snop;
	(pc) =	sbr.ind lr, $3  }
0x3a: {  	_ = 	snop  }
0x3b: {  	_ = 	snop  }
0x3c: {  	p2 =	seq.s32 s10, $0x1;
	s10 =	sld [smem:$0x3FBA]  }
0x3d: {  	_ =	shalt  }
0x3e: {  	_ =	shalt  }
0x3f: {  	_ =	shalt  }
0x40: {  	_ =	shalt  }
0x41: {  	_ =	shalt  }
0x42: {  	_ =	shalt  }
0x43: {  	_ =	shalt  }
0x44: {  	_ =	shalt  }
0x45: {  	_ =	shalt  }
0x46: {  	_ =	shalt  }
0x47: {  	_ =	shalt  }
0x48: {  	_ =	shalt  }
0x49: {  	_ =	shalt  }
0x4a: {  	_ =	shalt  }
0x4b: {  	_ =	shalt  }
0x4c: {  	_ =	shalt  }
0x4d: {  	_ =	shalt  }
0x4e: {  	_ =	shalt  }
0x4f: {  	_ =	shalt  }
0x50: {  	_ =	shalt  }
0x51: {  	_ =	shalt  }
0x52: {  	_ =	shalt  }
0x53: {  	_ =	shalt  }
0x54: {  	_ =	shalt  }
0x55: {  	_ =	shalt  }
0x56: {  	_ =	shalt  }
0x57: {  	_ =	shalt  }
0x58: {  	_ =	shalt  }
0x59: {  	_ =	shalt  }
0x5a: {  	_ =	shalt  }
0x5b: {  	_ =	shalt  }
0x5c: {  	_ =	shalt  }
0x5d: {  	_ =	shalt  }
0x5e: {  	_ =	shalt  }
0x5f: {  	_ =	shalt  }
0x60: {  	_ =	shalt  }
0x61: {  	_ =	shalt  }
0x62: {  	_ =	shalt  }
0x63: {  	_ =	shalt  }
0x64: {  	_ =	shalt  }
0x65: {  	_ =	shalt  }
0x66: {  	_ =	shalt  }
0x67: {  	_ =	shalt  }
0x68: {  	_ =	shalt  }
0x69: {  	_ =	shalt  }
0x6a: {  	_ =	shalt  }
0x6b: {  	_ =	shalt  }
0x6c: {  	_ =	shalt  }
0x6d: {  	_ =	shalt  }
0x6e: {  	_ =	shalt  }
0x6f: {  	_ =	shalt  }
0x70: {  	_ =	shalt  }
0x71: {  	_ =	shalt  }
0x72: {  	_ =	shalt  }
0x73: {  	_ =	shalt  }
0x74: {  	_ =	shalt  }
0x75: {  	_ =	shalt  }
0x76: {  	_ =	shalt  }
0x77: {  	_ =	shalt  }
0x78: {  	_ =	shalt  }
0x79: {  	_ =	shalt  }
0x7a: {  	_ =	shalt  }
0x7b: {  	_ =	shalt  }
0x7c: {  	_ =	shalt  }
0x7d: {  	_ =	shalt  }
0x7e: {  	_ =	shalt  }
0x7f: {  	_ =	shalt  }
0x80: {  	_ =	shalt  }
0x81: {  	_ =	shalt  }
0x82: {  	_ =	shalt  }
0x83: {  	_ =	shalt  }
0x84: {  	_ =	shalt  }
0x85: {  	_ =	shalt  }
0x86: {  	_ =	shalt  }
0x87: {  	_ =	shalt  }
.Lfunc_end0:
.L_simem_size_0:
called_computation_lowered:
.L_overlay_start_0:
0x88: {  	s2 =	sld [smem:$0x3FD9]  }
0x89: {  	s3 =	sld [smem:$0x3FFE];
	_ =	sdelay $0x1  }
0x8a: {  	s1 =	srdreg.scid  }
0x8b: {  	s0 =	sand.u32 $0x1, s1  }
0x8c: {  	s14 =	sshll.u32 s0, $0xA;
	s2 =	sadd.s32 s3, s2  }
0x8d: {  	s2 =	sadd.s32 s2, s14  }
0x8e: {  	[smem:$0x3FC6] =	sst s2  }
0x8f: {  	_ = 	snop  }
0x90: {  	s2 =	sld [smem:$0x3FD0];
	_ =	sdelay $0x2  }
0x91: {  	s4 =	simm.s32 $0xA;
	s5 =	simm.s32 $0x10;
	s15 =	sld [smem:$0x3FC8]  }
0x92: {  	[smem:s5], [sflag:s4] =	dma.local [hbm:s2], $0x1  }
0x93: {  	_ =	swait.eq [sflag:s4], $0x1  }
0x94: {  	[sflag:s4] =	ssyncset.done $0x0  }
0x95: {  	[sflag:s4] =	ssyncadd.s32 $0xFFFFFFFF  }
0x96: {  	s16 =	sld [smem:$0x10];
	(tm) =	ssettm $0x1  }
0x97: {  	s17 =	sld [smem:$0x3FFB];
	_ =	sdelay $0x3  }
0x98: {  	_ =	strace s17  }
0x99: {  	s4 =	sld [smem:$0x3FFC];
	_ =	sdelay $0x3  }
0x9a: {  	_ =	strace s4  }
0x9b: {  	s4 =	sld [smem:$0x3FFD];
	_ =	sdelay $0x3  }
0x9c: {  	_ =	strace s4  }
0x9d: {  	_ =	strace $0x8FFFFFFF  }
0x9e: {  	s18 =	sld [smem:$0x3FDB];
	_ =	sdelay $0x1  }
0x9f: {  	s19 =	simm.s32 $_scs_section_size  }
0xa0: {  	s6 =	simm.s32 $_size__tile_overlayer_lowered;
	s7 =	simm.s32 $_tile_overlayer_lowered  }
0xa1: {  	s22 =	simm.s32 $0x1BFF;
	s21 =	sshll.u32 s7, $0x1;
	s4 =	sadd.s32 s19, s18  }
0xa2: {  	s8 =	simm.s32 $0x0;
	s20 =	sshll.u32 s6, $0x1;
	s6 =	sadd.s32 s21, s4  }
0xa3: {  	[timem:s8], [sflag:s22] =	dma.local [hbm:s6], s20  }
0xa4: {  	_ =	swait.ge [sflag:s22], s20  }
0xa5: {  	s5 =	ssub.s32 $0x0, s20;
	[sflag:s22] =	ssyncset.done $0x0  }
0xa6: {  	[sflag:s22] =	ssyncadd.s32 s5;
	_ =	sdelay $0x1  }
0xa7: {  	s23 =	simm.s32 $0x1B8B  }
0xa8: {  	_ =	swait.ge [sflag:s23], $0x1  }
0xa9: {  	[sflag:s23] =	ssyncset.done $0x0  }
0xaa: {  	s25 =	simm.s32 $0x1B8E;
	s24 =	sld [smem:$0x3FFE];
	[sflag:s23] =	ssyncadd.s32 $0xFFFFFFFF  }
0xab: {  	s26 =	simm.s32 $execute0_lowered;
	[smem:$0x3FD2] =	sst s25  }
0xac: {  	s6 =	sshll.u32 s26, $0x1;
	_ =	strace $0x80000046;
	[dreg:$0x1] =	wrdreg $0xFFFFFFFF  }
0xad: {  	s28 =	simm.s32 $_size_execute0_lowered;
	s4 =	sadd.s32 s4, s6;
	[dreg:$0x0] =	wrdreg $0x0  }
0xae: {  	s6 =	sshll.u32 s28, $0x1;
	[dreg:$0x2] =	wrdreg s4  }
0xaf: {  	[dreg:$0x3] =	wrdreg s6  }
0xb0: {  	[dreg:$0x4] =	wrdreg $0xC0  }
0xb1: {  	_ =	task [dreg:s8], $0x5FFFF  }
0xb2: {  	[dreg:$0x1] =	wrdreg $0xFFFFFFFF  }
0xb3: {  	[dreg:$0x0] =	wrdreg $0x60  }
0xb4: {  	[dreg:$0x2] =	wrdreg s15  }
0xb5: {  	[dreg:$0x3] =	wrdreg s24  }
0xb6: {  	[dreg:$0x4] =	wrdreg s16  }
0xb7: {  	[dreg:$0x5] =	wrdreg $0x9  }
0xb8: {  	_ =	task.clear_ibuf [dreg:s8], $0x6FFFF;
	_ =	strace $0x90000046  }
0xb9: {  	s29 =	simm.s32 $0x9;
	_ =	strace $0x80000048  }
0xba: {  	_ =	swait.ge [sflag:s29], $0x1  }
0xbb: {  	[sflag:s29] =	ssyncadd.s32 $0xFFFFFFFF  }
0xbc: {  	_ =	strace $0x90000048  }
0xbd: {  	_ =	sfence  }
0xbe: {  	s30 =	sld [smem:$0x0];
	_ =	sdelay $0x2  }
0xbf: {  	s31 =	sshll.u32 s1, $0xD;
	s1 =	sshrl.u32 s1, $0x2  }
0xc0: {  	s3 =	sand.u32 $0x4000, s31;
	s1 =	sadd.s32 s1, s30  }
0xc1: {  	s0 =	sor.u32 s3, s0;
	s1 =	sshll.u32 s1, $0x11  }
0xc2: {  	s0 =	sor.u32 s1, s0  }
0xc3: {  	s0 =	sadd.s32 $0x8F2B, s0  }
0xc4: {  	[sflag:s0] =	ssyncadd.remote.s32 $0x1  }
0xc5: {  	_ =	sfence.sel $0xFFFF  }
0xc6: {  	[dreg:$0x0] =	wrdreg $0xFFFFFFFF;
	(pc) =	sbr.abs _section_cstart, $3  }
0xc7: {  	[dreg:$0x1] =	wrdreg $0xFFFFFFFF  }
0xc8: {  	_ =	task.clear_ibuf [dreg:s8], $0x2FFFF;
	_ =	strace $0x9FFFFFFF  }
0xc9: {  	(tm) =	ssettm $0x7FFFFFFF  }
tec
execute0_lowered:
.L_overlay_start_1:
0x0: {  	(tag) =	ssettag $0x1  }
0x1: {  	s1 =	rddreg [dreg:$0x0]  }
0x2: {  	s2 =	srdreg.scid;
	s4 =	rddreg [dreg:$0x1]  }
0x3: {  	s0 =	stileid.u32;
	s6 =	rddreg [dreg:$0x2];
	s19 =	simm.s32 $0x900  }
0x4: {  	s20 =	simm.s32 $0x1100;
	s21 =	simm.s32 $0x1900;
	s23 =	simm.s32 $0x2100  }
0x5: {  	s24 =	simm.s32 $0x2900;
	s25 =	simm.s32 $0x3100;
	s26 =	simm.s32 $0x3900  }
0x6: {  	s8 =	simm.s32 $0x4900;
	s9 =	simm.s32 $0x5100;
	s10 =	simm.s32 $0x5900  }
0x7: {  	s11 =	simm.s32 $0x6100;
	s12 =	simm.s32 $0x6900;
	s13 =	simm.s32 $0x7100  }
0x8: {  	s14 =	simm.s32 $0x7900;
	s15 =	simm.s32 $0x8100;
	s2 =	sand.u32 $0x1, s2  }
0x9: {  	s16 =	simm.s32 $0x8900;
	s3 =	sshll.u32 s0, $0x9;
	s5 =	sshll.u32 s2, $0x8  }
0xa: {  	s17 =	simm.s32 $0x9100;
	s5 =	sor.u32 s5, s3;
	s3 =	simm.s32 $0x0  }
0xb: {  	s28 =	simm.s32 $0xE100;
	s29 =	simm.s32 $0xE900;
	[smem:$0x7FF] =	sst s3  }
0xc: {  	s30 =	simm.s32 $0xF100;
	_ =	strace $0x80000047;
	[dreg:$0x6] =	wrdreg s19  }
0xd: {  	s31 =	simm.s32 $0xF900;
	s2 =	ssub.s32 $0x2, s2;
	[dreg:$0x7] =	wrdreg s20  }
0xe: {  	s22 =	sshrl.u32 s2, $0x1;
	s7 =	sshrl.u32 s5, $0x3;
	[dreg:$0x8] =	wrdreg s21  }
0xf: {  	s5 =	sshll.u32 s5, $0x5;
	s2 =	ssub.s32 s2, s22;
	[dreg:$0x9] =	wrdreg s23  }
0x10: {  	s22 =	simm.s32 $0xB900;
	s4 =	sadd.s32 s7, s4;
	[dreg:$0xa] =	wrdreg s24  }
0x11: {  	s18 =	sadd.s32 s6, s5;
	s5 =	simm.s32 $0x2;
	[dreg:$0xb] =	wrdreg s25  }
0x12: {  	s6 =	simm.s32 $0x100;
	[dreg:$0xc] =	wrdreg s26;
	s19 =	simm.s32 $0xA100  }
0x13: {  	s20 =	simm.s32 $0xA900;
	s21 =	simm.s32 $0xB100;
	s23 =	simm.s32 $0xC100  }
0x14: {  	v2 =	vlaneseq.u32;
	s24 =	simm.s32 $0xC900;
	s25 =	simm.s32 $0xD100;
	s26 =	simm.s32 $0xD900  }
0x15: {  	vm0 =	vmmov $0xffff;
	v1 =	vshrl.u32 v2, $0x3;
	s4 =	sadd.s32 $0xE00, s4;
	[dreg:$0x5] =	wrdreg s18;
	s18 =	simm.s32 $0x9900  }
0x16: {  	v0 =	vand.u32 $0x7, v2;
	v2 =	vor.u32 $0x8, v2;
	v1 =	vmul.u32 $0x8, v1;
	[dreg:$0x4] =	wrdreg s4;
	s4 =	smax.u32 s2, $0x1;
	s2 =	simm.s32 $0x1  }
.LBB2_1:
0x17: {  	s0 =	rddreg [dreg:$0x4]  }
0x18: {  	[tilespmem:s3], [sflag:$0x2] =	stream.linear.gather [hbm4b:s0+s3], $0x100, $0x38;
	[tilespmem:$0x10100] =	vst v63  }
0x19: {  	_ =	swait.ge [sflag:s5], $0x100  }
0x1a: {  	[sflag:s5] =	ssyncset.done $0x0  }
0x1b: {  	[sflag:s5] =	ssyncadd.s32 $0xFFFFFF00  }
0x1c: {  	v3 =	vld [tilespmem:$0x0];
	_ =	sdelay $0x4  }
0x1d: {  	v4 =	vshll.u32 v3, $0x1  }
0x1e: {  	v3 =	vand.u32 $0x7, v3;
	v4 =	vand.u32 $0xFFFFFFF0, v4  }
0x1f: {  	v3 =	vor.u32 v3, v4  }
0x20: {  	v4 =	vperm.xlane v3, v0;
	_ =	sdelay $0x1  }
0x21: {  	v3 =	vperm.xlane v3, v2;
	v4 =	vadd.s32 v1, v4;
	_ =	sdelay $0x1  }
0x22: {  	v3 =	vadd.s32 v1, v3;
	_ =	sdelay $0x2  }
0x23: {  	[tilespmem:s6], [sflag:$0x1] =	stream.indirect_vreg.gather [hbm4b:s1+s3], $0x80, v4, vm0, $0xb8;
	[tilespmem:$0x10100] =	vst v63  }
0x24: {  	s7 =	rddreg [dreg:$0x6]  }
0x25: {  	[tilespmem:s7], [sflag:$0x1] =	stream.indirect_vreg.gather [hbm4b:s1+s3], $0x80, v3, vm0, $0xb8;
	[tilespmem:$0x10100] =	vst v63  }
0x26: {  	v3 =	vld [tilespmem:$0x10];
	_ =	sdelay $0x4  }
0x27: {  	v49 =	vshll.u32 v3, $0x1  }
0x28: {  	v3 =	vand.u32 $0x7, v3;
	v4 =	vand.u32 $0xFFFFFFF0, v49  }
0x29: {  	v3 =	vor.u32 v3, v4  }
0x2a: {  	v4 =	vperm.xlane v3, v0;
	_ =	sdelay $0x1  }
0x2b: {  	v3 =	vperm.xlane v3, v2;
	v4 =	vadd.s32 v1, v4;
	_ =	sdelay $0x1  }
0x2c: {  	v3 =	vadd.s32 v1, v3;
	_ =	sdelay $0x1  }
0x2d: {  	s0 =	rddreg [dreg:$0x7]  }
0x2e: {  	[tilespmem:s0], [sflag:$0x1] =	stream.indirect_vreg.gather [hbm4b:s1+s3], $0x80, v4, vm0, $0xb8;
	[tilespmem:$0x10100] =	vst v63  }
0x2f: {  	s7 =	rddreg [dreg:$0x8]  }
0x30: {  	[tilespmem:s7], [sflag:$0x1] =	stream.indirect_vreg.gather [hbm4b:s1+s3], $0x80, v3, vm0, $0xb8;
	[tilespmem:$0x10100] =	vst v63  }
0x31: {  	v3 =	vld [tilespmem:$0x20];
	_ =	sdelay $0x4  }
0x32: {  	v50 =	vshll.u32 v3, $0x1  }
0x33: {  	v3 =	vand.u32 $0x7, v3;
	v4 =	vand.u32 $0xFFFFFFF0, v50  }
0x34: {  	v3 =	vor.u32 v3, v4  }
0x35: {  	v4 =	vperm.xlane v3, v0;
	_ =	sdelay $0x1  }
0x36: {  	v3 =	vperm.xlane v3, v2;
	v4 =	vadd.s32 v1, v4;
	_ =	sdelay $0x1  }
0x37: {  	v3 =	vadd.s32 v1, v3;
	_ =	sdelay $0x1  }
0x38: {  	s0 =	rddreg [dreg:$0x9]  }
0x39: {  	[tilespmem:s0], [sflag:$0x1] =	stream.indirect_vreg.gather [hbm4b:s1+s3], $0x80, v4, vm0, $0xb8;
	[tilespmem:$0x10100] =	vst v63  }
0x3a: {  	s7 =	rddreg [dreg:$0xa]  }
0x3b: {  	[tilespmem:s7], [sflag:$0x1] =	stream.indirect_vreg.gather [hbm4b:s1+s3], $0x80, v3, vm0, $0xb8;
	[tilespmem:$0x10100] =	vst v63  }
0x3c: {  	v3 =	vld [tilespmem:$0x30];
	_ =	sdelay $0x4  }
0x3d: {  	v51 =	vshll.u32 v3, $0x1  }
0x3e: {  	v3 =	vand.u32 $0x7, v3;
	v4 =	vand.u32 $0xFFFFFFF0, v51  }
0x3f: {  	v3 =	vor.u32 v3, v4  }
0x40: {  	v4 =	vperm.xlane v3, v0;
	_ =	sdelay $0x1  }
0x41: {  	v3 =	vperm.xlane v3, v2;
	v4 =	vadd.s32 v1, v4;
	_ =	sdelay $0x1  }
0x42: {  	v3 =	vadd.s32 v1, v3;
	_ =	sdelay $0x1  }
0x43: {  	s0 =	rddreg [dreg:$0xb]  }
0x44: {  	[tilespmem:s0], [sflag:$0x1] =	stream.indirect_vreg.gather [hbm4b:s1+s3], $0x80, v4, vm0, $0xb8;
	[tilespmem:$0x10100] =	vst v63  }
0x45: {  	s7 =	rddreg [dreg:$0xc]  }
0x46: {  	[tilespmem:s7], [sflag:$0x1] =	stream.indirect_vreg.gather [hbm4b:s1+s3], $0x80, v3, vm0, $0xb8;
	[tilespmem:$0x10100] =	vst v63  }
0x47: {  	v3 =	vld [tilespmem:$0x40];
	_ =	sdelay $0x4  }
0x48: {  	v52 =	vshll.u32 v3, $0x1  }
0x49: {  	v3 =	vand.u32 $0x7, v3;
	v4 =	vand.u32 $0xFFFFFFF0, v52  }
0x4a: {  	v3 =	vor.u32 v3, v4  }
0x4b: {  	v4 =	vperm.xlane v3, v0;
	_ =	sdelay $0x1  }
0x4c: {  	v3 =	vperm.xlane v3, v2;
	v4 =	vadd.s32 v1, v4;
	_ =	sdelay $0x1  }
0x4d: {  	v3 =	vadd.s32 v1, v3;
	_ =	sdelay $0x1  }
0x4e: {  	s7 =	simm.s32 $0x4100  }
0x4f: {  	[tilespmem:s7], [sflag:$0x1] =	stream.indirect_vreg.gather [hbm4b:s1+s3], $0x80, v4, vm0, $0xb8;
	[tilespmem:$0x10100] =	vst v63  }
0x50: {  	_ = 	snop  }
0x51: {  	[tilespmem:s8], [sflag:$0x1] =	stream.indirect_vreg.gather [hbm4b:s1+s3], $0x80, v3, vm0, $0xb8;
	[tilespmem:$0x10100] =	vst v63  }
0x52: {  	v3 =	vld [tilespmem:$0x50];
	_ =	sdelay $0x4  }
0x53: {  	v53 =	vshll.u32 v3, $0x1  }
0x54: {  	v3 =	vand.u32 $0x7, v3;
	v4 =	vand.u32 $0xFFFFFFF0, v53  }
0x55: {  	v3 =	vor.u32 v3, v4  }
0x56: {  	v4 =	vperm.xlane v3, v0;
	_ =	sdelay $0x1  }
0x57: {  	v3 =	vperm.xlane v3, v2;
	v4 =	vadd.s32 v1, v4;
	_ =	sdelay $0x1  }
0x58: {  	v3 =	vadd.s32 v1, v3;
	_ =	sdelay $0x2  }
0x59: {  	[tilespmem:s9], [sflag:$0x1] =	stream.indirect_vreg.gather [hbm4b:s1+s3], $0x80, v4, vm0, $0xb8;
	[tilespmem:$0x10100] =	vst v63  }
0x5a: {  	_ = 	snop  }
0x5b: {  	[tilespmem:s10], [sflag:$0x1] =	stream.indirect_vreg.gather [hbm4b:s1+s3], $0x80, v3, vm0, $0xb8;
	[tilespmem:$0x10100] =	vst v63  }
0x5c: {  	v3 =	vld [tilespmem:$0x60];
	_ =	sdelay $0x4  }
0x5d: {  	v54 =	vshll.u32 v3, $0x1  }
0x5e: {  	v3 =	vand.u32 $0x7, v3;
	v4 =	vand.u32 $0xFFFFFFF0, v54  }
0x5f: {  	v3 =	vor.u32 v3, v4  }
0x60: {  	v4 =	vperm.xlane v3, v0;
	_ =	sdelay $0x1  }
0x61: {  	v3 =	vperm.xlane v3, v2;
	v4 =	vadd.s32 v1, v4;
	_ =	sdelay $0x1  }
0x62: {  	v3 =	vadd.s32 v1, v3;
	_ =	sdelay $0x2  }
0x63: {  	[tilespmem:s11], [sflag:$0x1] =	stream.indirect_vreg.gather [hbm4b:s1+s3], $0x80, v4, vm0, $0xb8;
	[tilespmem:$0x10100] =	vst v63  }
0x64: {  	_ = 	snop  }
0x65: {  	[tilespmem:s12], [sflag:$0x1] =	stream.indirect_vreg.gather [hbm4b:s1+s3], $0x80, v3, vm0, $0xb8;
	[tilespmem:$0x10100] =	vst v63  }
0x66: {  	v3 =	vld [tilespmem:$0x70];
	_ =	sdelay $0x4  }
0x67: {  	v55 =	vshll.u32 v3, $0x1  }
0x68: {  	v3 =	vand.u32 $0x7, v3;
	v4 =	vand.u32 $0xFFFFFFF0, v55  }
0x69: {  	v3 =	vor.u32 v3, v4  }
0x6a: {  	v4 =	vperm.xlane v3, v0;
	_ =	sdelay $0x1  }
0x6b: {  	v3 =	vperm.xlane v3, v2;
	v4 =	vadd.s32 v1, v4;
	_ =	sdelay $0x1  }
0x6c: {  	v3 =	vadd.s32 v1, v3;
	_ =	sdelay $0x2  }
0x6d: {  	[tilespmem:s13], [sflag:$0x1] =	stream.indirect_vreg.gather [hbm4b:s1+s3], $0x80, v4, vm0, $0xb8;
	[tilespmem:$0x10100] =	vst v63  }
0x6e: {  	_ = 	snop  }
0x6f: {  	[tilespmem:s14], [sflag:$0x1] =	stream.indirect_vreg.gather [hbm4b:s1+s3], $0x80, v3, vm0, $0xb8;
	[tilespmem:$0x10100] =	vst v63  }
0x70: {  	v3 =	vld [tilespmem:$0x80];
	_ =	sdelay $0x4  }
0x71: {  	v56 =	vshll.u32 v3, $0x1  }
0x72: {  	v3 =	vand.u32 $0x7, v3;
	v4 =	vand.u32 $0xFFFFFFF0, v56  }
0x73: {  	v3 =	vor.u32 v3, v4  }
0x74: {  	v4 =	vperm.xlane v3, v0;
	_ =	sdelay $0x1  }
0x75: {  	v3 =	vperm.xlane v3, v2;
	v4 =	vadd.s32 v1, v4;
	_ =	sdelay $0x1  }
0x76: {  	v3 =	vadd.s32 v1, v3;
	_ =	sdelay $0x2  }
0x77: {  	[tilespmem:s15], [sflag:$0x1] =	stream.indirect_vreg.gather [hbm4b:s1+s3], $0x80, v4, vm0, $0xb8;
	[tilespmem:$0x10100] =	vst v63  }
0x78: {  	_ = 	snop  }
0x79: {  	[tilespmem:s16], [sflag:$0x1] =	stream.indirect_vreg.gather [hbm4b:s1+s3], $0x80, v3, vm0, $0xb8;
	[tilespmem:$0x10100] =	vst v63  }
0x7a: {  	v3 =	vld [tilespmem:$0x90];
	_ =	sdelay $0x4  }
0x7b: {  	v57 =	vshll.u32 v3, $0x1  }
0x7c: {  	v3 =	vand.u32 $0x7, v3;
	v4 =	vand.u32 $0xFFFFFFF0, v57  }
0x7d: {  	v3 =	vor.u32 v3, v4  }
0x7e: {  	v4 =	vperm.xlane v3, v0;
	_ =	sdelay $0x1  }
0x7f: {  	v3 =	vperm.xlane v3, v2;
	v4 =	vadd.s32 v1, v4;
	_ =	sdelay $0x1  }
0x80: {  	v3 =	vadd.s32 v1, v3;
	_ =	sdelay $0x2  }
0x81: {  	[tilespmem:s17], [sflag:$0x1] =	stream.indirect_vreg.gather [hbm4b:s1+s3], $0x80, v4, vm0, $0xb8;
	[tilespmem:$0x10100] =	vst v63  }
0x82: {  	_ = 	snop  }
0x83: {  	[tilespmem:s18], [sflag:$0x1] =	stream.indirect_vreg.gather [hbm4b:s1+s3], $0x80, v3, vm0, $0xb8;
	[tilespmem:$0x10100] =	vst v63  }
0x84: {  	v3 =	vld [tilespmem:$0xA0];
	_ =	sdelay $0x4  }
0x85: {  	v58 =	vshll.u32 v3, $0x1  }
0x86: {  	v3 =	vand.u32 $0x7, v3;
	v4 =	vand.u32 $0xFFFFFFF0, v58  }
0x87: {  	v3 =	vor.u32 v3, v4  }
0x88: {  	v4 =	vperm.xlane v3, v0;
	_ =	sdelay $0x1  }
0x89: {  	v3 =	vperm.xlane v3, v2;
	v4 =	vadd.s32 v1, v4;
	_ =	sdelay $0x1  }
0x8a: {  	v3 =	vadd.s32 v1, v3;
	_ =	sdelay $0x2  }
0x8b: {  	[tilespmem:s19], [sflag:$0x1] =	stream.indirect_vreg.gather [hbm4b:s1+s3], $0x80, v4, vm0, $0xb8;
	[tilespmem:$0x10100] =	vst v63  }
0x8c: {  	_ = 	snop  }
0x8d: {  	[tilespmem:s20], [sflag:$0x1] =	stream.indirect_vreg.gather [hbm4b:s1+s3], $0x80, v3, vm0, $0xb8;
	[tilespmem:$0x10100] =	vst v63  }
0x8e: {  	v3 =	vld [tilespmem:$0xB0];
	_ =	sdelay $0x4  }
0x8f: {  	v59 =	vshll.u32 v3, $0x1  }
0x90: {  	v3 =	vand.u32 $0x7, v3;
	v4 =	vand.u32 $0xFFFFFFF0, v59  }
0x91: {  	v3 =	vor.u32 v3, v4  }
0x92: {  	v4 =	vperm.xlane v3, v0;
	_ =	sdelay $0x1  }
0x93: {  	v3 =	vperm.xlane v3, v2;
	v4 =	vadd.s32 v1, v4;
	_ =	sdelay $0x1  }
0x94: {  	v3 =	vadd.s32 v1, v3;
	_ =	sdelay $0x2  }
0x95: {  	[tilespmem:s21], [sflag:$0x1] =	stream.indirect_vreg.gather [hbm4b:s1+s3], $0x80, v4, vm0, $0xb8;
	[tilespmem:$0x10100] =	vst v63  }
0x96: {  	_ = 	snop  }
0x97: {  	[tilespmem:s22], [sflag:$0x1] =	stream.indirect_vreg.gather [hbm4b:s1+s3], $0x80, v3, vm0, $0xb8;
	[tilespmem:$0x10100] =	vst v63  }
0x98: {  	v3 =	vld [tilespmem:$0xC0];
	_ =	sdelay $0x4  }
0x99: {  	v60 =	vshll.u32 v3, $0x1  }
0x9a: {  	v3 =	vand.u32 $0x7, v3;
	v4 =	vand.u32 $0xFFFFFFF0, v60  }
0x9b: {  	v3 =	vor.u32 v3, v4  }
0x9c: {  	v4 =	vperm.xlane v3, v0;
	_ =	sdelay $0x1  }
0x9d: {  	v3 =	vperm.xlane v3, v2;
	v4 =	vadd.s32 v1, v4;
	_ =	sdelay $0x1  }
0x9e: {  	v3 =	vadd.s32 v1, v3;
	_ =	sdelay $0x2  }
0x9f: {  	[tilespmem:s23], [sflag:$0x1] =	stream.indirect_vreg.gather [hbm4b:s1+s3], $0x80, v4, vm0, $0xb8;
	[tilespmem:$0x10100] =	vst v63  }
0xa0: {  	_ = 	snop  }
0xa1: {  	[tilespmem:s24], [sflag:$0x1] =	stream.indirect_vreg.gather [hbm4b:s1+s3], $0x80, v3, vm0, $0xb8;
	[tilespmem:$0x10100] =	vst v63  }
0xa2: {  	v3 =	vld [tilespmem:$0xD0];
	_ =	sdelay $0x4  }
0xa3: {  	v61 =	vshll.u32 v3, $0x1  }
0xa4: {  	v3 =	vand.u32 $0x7, v3;
	v4 =	vand.u32 $0xFFFFFFF0, v61  }
0xa5: {  	v3 =	vor.u32 v3, v4  }
0xa6: {  	v4 =	vperm.xlane v3, v0;
	_ =	sdelay $0x1  }
0xa7: {  	v3 =	vperm.xlane v3, v2;
	v4 =	vadd.s32 v1, v4;
	_ =	sdelay $0x1  }
0xa8: {  	v3 =	vadd.s32 v1, v3;
	_ =	sdelay $0x2  }
0xa9: {  	[tilespmem:s25], [sflag:$0x1] =	stream.indirect_vreg.gather [hbm4b:s1+s3], $0x80, v4, vm0, $0xb8;
	[tilespmem:$0x10100] =	vst v63  }
0xaa: {  	_ = 	snop  }
0xab: {  	[tilespmem:s26], [sflag:$0x1] =	stream.indirect_vreg.gather [hbm4b:s1+s3], $0x80, v3, vm0, $0xb8;
	[tilespmem:$0x10100] =	vst v63  }
0xac: {  	v3 =	vld [tilespmem:$0xE0];
	_ =	sdelay $0x4  }
0xad: {  	v62 =	vshll.u32 v3, $0x1  }
0xae: {  	v3 =	vand.u32 $0x7, v3;
	v4 =	vand.u32 $0xFFFFFFF0, v62  }
0xaf: {  	v3 =	vor.u32 v3, v4  }
0xb0: {  	v4 =	vperm.xlane v3, v0;
	_ =	sdelay $0x1  }
0xb1: {  	v3 =	vperm.xlane v3, v2;
	v4 =	vadd.s32 v1, v4;
	_ =	sdelay $0x1  }
0xb2: {  	v3 =	vadd.s32 v1, v3;
	_ =	sdelay $0x2  }
0xb3: {  	[tilespmem:s28], [sflag:$0x1] =	stream.indirect_vreg.gather [hbm4b:s1+s3], $0x80, v4, vm0, $0xb8;
	[tilespmem:$0x10100] =	vst v63  }
0xb4: {  	_ = 	snop  }
0xb5: {  	[tilespmem:s29], [sflag:$0x1] =	stream.indirect_vreg.gather [hbm4b:s1+s3], $0x80, v3, vm0, $0xb8;
	[tilespmem:$0x10100] =	vst v63  }
0xb6: {  	v3 =	vld [tilespmem:$0xF0];
	_ =	sdelay $0x4  }
0xb7: {  	v63 =	vshll.u32 v3, $0x1  }
0xb8: {  	v3 =	vand.u32 $0x7, v3;
	v4 =	vand.u32 $0xFFFFFFF0, v63  }
0xb9: {  	v3 =	vor.u32 v3, v4  }
0xba: {  	v4 =	vperm.xlane v3, v0;
	_ =	sdelay $0x1  }
0xbb: {  	v3 =	vperm.xlane v3, v2;
	v4 =	vadd.s32 v1, v4;
	_ =	sdelay $0x1  }
0xbc: {  	v3 =	vadd.s32 v1, v3;
	_ =	sdelay $0x2  }
0xbd: {  	[tilespmem:s30], [sflag:$0x1] =	stream.indirect_vreg.gather [hbm4b:s1+s3], $0x80, v4, vm0, $0xb8;
	[tilespmem:$0x10100] =	vst v63  }
0xbe: {  	_ = 	snop  }
0xbf: {  	[tilespmem:s31], [sflag:$0x1] =	stream.indirect_vreg.gather [hbm4b:s1+s3], $0x80, v3, vm0, $0xb8;
	[tilespmem:$0x10100] =	vst v63  }
0xc0: {  	_ =	swait.ge [sflag:s2], $0x10000  }
0xc1: {  	p0 =	sne.s32 s4, $0x1;
	[sflag:s2] =	ssyncset.done $0x0  }
.Ltmp0:
0xc2: {  	s7 =	rddreg [dreg:$0x5];
	[sflag:s2] =	ssyncadd.s32 $0xFFFF0000;
	(pc) =	sbr.rel @p0 .LBB2_1-.Ltmp0, $4  }
0xc3: {  	[hbm4b:s7+s3] =	stream.linear.scatter [tilespmem:s6], [sflag:$0x2], $0x10000, $0x38;
	[tilespmem:$0x10100] =	vst v63  }
0xc4: {  	_ =	swait.ge [sflag:s5], $0x10000  }
0xc5: {  	[sflag:s5] =	ssyncset.done $0x0  }
0xc6: {  	s4 =	sadd.s32 $0xFFFFFFFF, s4;
	[sflag:s5] =	ssyncadd.s32 $0xFFFF0000  }
0xc7: {  	_ =	sfence.sel $0x180000  }
0xc8: {  	[bflag:$0x0] =	sbarrier.arrive $0xFFFF  }
0xc9: {  	_ =	strace $0x90000047  }
0xca: {  	s0 =	stileid.u32;
	[bflag:$0x2] =	sbarrier.arrive $0xFFFF  }
0xcb: {  	p0 =	sne.s32 s0, $0x0;
	s0 =	rddreg [dreg:$0x3]  }
0xcc: {  	s0 =	sadd.s32 @!p0 $0x100000, s0  }
0xcd: {  	[sflag:s0] =	ssyncadd.tile.s32 @!p0 $0x1;
	_ =	shalt  }
.Lfunc_end2:
_tile_overlayer_lowered:
.L_overlay_start_2:
0xce: {  	(tag) =	ssettag $0x2  }
0xcf: {  	s0 =	rddreg [dreg:$0x0];
	s2 =	stileid.u32  }
0xd0: {  	s1 =	rddreg [dreg:$0x1];
	p0 =	sne.s32 s2, $0x0  }
0xd1: {  	s3 =	rddreg [dreg:$0x2];
	[bflag:$0x3] =	sbarrier.arrive $0xFFFF;
	s2 =	simm.s32 @!p0 $0x1C02  }
0xd2: {  	[timem:s3], [sflag:s2] =	dma.local @!p0 [hbm:s0], s1  }
0xd3: {  	s0 =	simm.s32 @!p0 $0x2  }
0xd4: {  	_ =	swait.ge @!p0 [sflag:s0], s1  }
0xd5: {  	s1 =	ssub.s32 @!p0 $0x0, s1;
	[sflag:s0] =	ssyncset.done @!p0 $0x0  }
0xd6: {  	[sflag:s0] =	ssyncadd.s32 @!p0 s1  }
0xd7: {  	[bflag:$0x3] =	sbarrier.arrive $0xFFFF  }
0xd8: {  	_ =	shalt  }

</sc_bundles>
